<compile_context>
chip_gen: v7x
topology: tpu7x:2x2x1
jax: 0.10.2.dev20260603
libtpu: 0.0.44.dev20260713+nightly
codegen_flags: <defaults>
</compile_context>

<pallas_src>
import functools

import jax
import jax.numpy as jnp
from jax import lax
from jax.experimental import pallas as pl
from jax.experimental.pallas import tpu as pltpu
from jax.experimental.pallas import tpu_sc as plsc

N = 10000
E = 320000
F = 128
NC = 2
NS = 16
NW = NC * NS
L = 16
B = 64
NB = 160
CH = 10
NCH = NB // CH
EPW = NB * B
AGGR = 10240
ZR = AGGR // NS


def _sc_agg_body(x_hbm, sd_hbm, zrow_hbm,
                 part_hbm, degp_hbm,
                 sd, buf0, buf1, buf2, degloc, agg_sh,
                 gsem0, gsem1, gsem2, ssem0, ssem1, ssem2):
    c = lax.axis_index("c")
    s = lax.axis_index("s")
    wid = c * NS + s
    base = wid * EPW

    zeros16 = jnp.zeros((L,), jnp.float32)
    ones16 = jnp.ones((L,), jnp.float32)

    def zdeg(i, carry):
        degloc[pl.ds(i * L, L)] = zeros16
        return carry

    lax.fori_loop(0, AGGR // L, zdeg, 0)

    pltpu.sync_copy(zrow_hbm, buf0)
    zds = [pltpu.async_copy(buf0, agg_sh.at[pl.ds(s * ZR + k * B, B)], gsem0)
           for k in range(ZR // B)]
    for d in zds:
        d.wait()
    plsc.subcore_barrier()

    bufs = (buf0, buf1, buf2)
    gsems = (gsem0, gsem1, gsem2)
    ssems = (ssem0, ssem1, ssem2)

    def chunk(ch, carry):
        pltpu.sync_copy(sd_hbm.at[wid, ch], sd)
        gd = [None] * CH
        sdn = [None] * CH
        gd[0] = pltpu.async_copy(x_hbm.at[sd.at[0]], bufs[0], gsems[0])
        gd[1] = pltpu.async_copy(x_hbm.at[sd.at[1]], bufs[1], gsems[1])
        for b in range(CH):
            p = b % 3
            gd[b].wait()
            sdn[b] = pltpu.async_copy(bufs[p], agg_sh.at[sd.at[CH + b]],
                                      ssems[p], add=True)
            if b + 2 < CH:
                if b >= 1:
                    sdn[b - 1].wait()
                gd[b + 2] = pltpu.async_copy(x_hbm.at[sd.at[b + 2]],
                                             bufs[(b + 2) % 3],
                                             gsems[(b + 2) % 3])
            for k in range(B // L):
                plsc.addupdate_scatter(degloc, [sd[CH + b, pl.ds(k * L, L)]],
                                       ones16)
        sdn[CH - 3].wait()
        sdn[CH - 2].wait()
        sdn[CH - 1].wait()
        return carry

    lax.fori_loop(0, NCH, chunk, 0)
    plsc.subcore_barrier()

    NK = ZR // B
    rds = [None] * NK
    wrs = [None] * NK
    dd = pltpu.async_copy(degloc, degp_hbm.at[pl.ds(wid * AGGR, AGGR)], gsem2)
    rds[0] = pltpu.async_copy(agg_sh.at[pl.ds(s * ZR, B)], buf0, gsem0)
    for k in range(NK):
        p = k % 2
        r = s * ZR + k * B
        o = pl.multiple_of(c * AGGR + r, B)
        rds[k].wait()
        wrs[k] = pltpu.async_copy(bufs[p], part_hbm.at[pl.ds(o, B)], ssems[p])
        if k + 1 < NK:
            if k >= 1:
                wrs[k - 1].wait()
            r2 = s * ZR + (k + 1) * B
            rds[k + 1] = pltpu.async_copy(agg_sh.at[pl.ds(r2, B)],
                                          bufs[1 - p], gsems[1 - p])
    wrs[NK - 2].wait()
    wrs[NK - 1].wait()
    dd.wait()


_sc_agg = functools.partial(
    pl.kernel,
    mesh=plsc.VectorSubcoreMesh(core_axis_name="c", subcore_axis_name="s"),
    compiler_params=pltpu.CompilerParams(needs_layout_passes=False),
    out_type=[
        jax.ShapeDtypeStruct((NC * AGGR, F), jnp.float32),
        jax.ShapeDtypeStruct((NW * AGGR,), jnp.float32),
    ],
    scratch_types=[
        pltpu.VMEM((2 * CH, B), jnp.int32),
        pltpu.VMEM((B, F), jnp.float32),
        pltpu.VMEM((B, F), jnp.float32),
        pltpu.VMEM((B, F), jnp.float32),
        pltpu.VMEM((AGGR,), jnp.float32),
        pltpu.VMEM_SHARED((AGGR, F), jnp.float32),
        pltpu.SemaphoreType.DMA,
        pltpu.SemaphoreType.DMA,
        pltpu.SemaphoreType.DMA,
        pltpu.SemaphoreType.DMA,
        pltpu.SemaphoreType.DMA,
        pltpu.SemaphoreType.DMA,
    ],
)(_sc_agg_body)


def _tc_dense_body(x_ref, p_ref, dp_ref, wx_ref, wa_ref, b_ref, o_ref):
    agg = p_ref[0] + p_ref[1]
    deg = jnp.sum(dp_ref[...], axis=1, keepdims=True)
    agg = agg / jnp.maximum(deg, 1.0)
    o_ref[...] = (
        jnp.dot(x_ref[...], wx_ref[...], preferred_element_type=jnp.float32)
        + jnp.dot(agg, wa_ref[...], preferred_element_type=jnp.float32)
        + b_ref[...]
    )


def _tc_dense(x, part, degt, wx, wa, b2):
    R = 1000
    grid = (N // R,)
    return pl.pallas_call(
        _tc_dense_body,
        grid=grid,
        in_specs=[
            pl.BlockSpec((R, F), lambda i: (i, 0)),
            pl.BlockSpec((NC, R, F), lambda i: (0, i, 0)),
            pl.BlockSpec((R, NW), lambda i: (i, 0)),
            pl.BlockSpec((F, F), lambda i: (0, 0)),
            pl.BlockSpec((F, F), lambda i: (0, 0)),
            pl.BlockSpec((1, F), lambda i: (0, 0)),
        ],
        out_specs=pl.BlockSpec((R, F), lambda i: (i, 0)),
        out_shape=jax.ShapeDtypeStruct((N, F), jnp.float32),
    )(x, part, degt, wx, wa, b2)


def kernel(x, edge_index, W, b):
    ei = edge_index.astype(jnp.int32)
    pad = NW * EPW - E
    src = jnp.concatenate([ei[0], jnp.zeros((pad,), jnp.int32)])
    dst = jnp.concatenate([ei[1], jnp.full((pad,), N, jnp.int32)])
    sd = jnp.stack([src.reshape(NW, NCH, CH, B), dst.reshape(NW, NCH, CH, B)],
                   axis=2).reshape(NW, NCH, 2 * CH, B)

    zrow = jnp.zeros((B, F), jnp.float32)

    part, degp = _sc_agg(x, sd, zrow)
    part = part.reshape(NC, AGGR, F)
    degt = degp.reshape(NW, AGGR).T

    wx = W[:, :F].T
    wa = W[:, F:].T
    return _tc_dense(x, part, degt, wx, wa, b.reshape(1, F))

# --- scband reference (transcript-rebuilt; emitter-appended) ---
"""Pipeline reference for scband-sagelayer-35107062678282 (READ-ONLY COPY).

The authoritative reference and input builder live on the scoring server;
editing this copy changes nothing except your own understanding.
"""

import jax, jax.numpy as jnp
import numpy as np

N_NODES = 10000
N_EDGES = 320000
IN_FEATS = 128
OUT_FEATS = 128


def setup_inputs(seed: int = 0) -> dict:
    key = jax.random.key(seed)
    k1, k2, k3 = jax.random.split(key, 3)
    x = jax.random.normal(k1, (N_NODES, IN_FEATS), dtype=jnp.float32)
    edge_index = jax.random.randint(k2, (2, N_EDGES), 0, N_NODES)
    # nn.Linear(2*in_feats, out_feats): weight [out, 2*in], bias [out]
    W = jax.random.normal(k3, (OUT_FEATS, 2 * IN_FEATS), dtype=jnp.float32) * (1.0 / np.sqrt(2 * IN_FEATS))
    b = jnp.zeros((OUT_FEATS,), dtype=jnp.float32)
    return {"x": x, "edge_index": edge_index, "W": W, "b": b}


def reference(x, edge_index, W, b):
    # MeanAggregator: row-normalized spmm -> mean of source-neighbor features per dst node
    src = edge_index[0]
    dst = edge_index[1]
    msgs = jnp.take(x, src, axis=0)                       # gather: [E, in_feats]
    agg = jax.ops.segment_sum(msgs, dst, num_segments=x.shape[0])  # scatter-add
    deg = jax.ops.segment_sum(jnp.ones((edge_index.shape[1],), dtype=x.dtype), dst, num_segments=x.shape[0])
    agg = agg / jnp.maximum(deg, 1.0)[:, None]            # row normalization (mean)
    h = jnp.concatenate([x, agg], axis=-1)                # [N, 2*in_feats]
    out = h @ W.T + b                                     # fc
    # normalize=False, dropout=0.0 -> identity
    return out

if __name__ == "__main__":
    import jax
    _d = setup_inputs()
    print(jax.jit(kernel)(*tuple(_d.values())))

</pallas_src>

<mosaic_0001>
#map = affine_map<(d0, d1) -> (0, 0)>
#map1 = affine_map<(d0, d1) -> (0, 0, 0, 0)>
#map2 = affine_map<(d0, d1) -> (0)>
module attributes {stable_mosaic.version = 14 : i64} {
  func.func @_sc_agg_body(%arg0: i32, %arg1: i32, %arg2: memref<10000x128xf32, #tpu.memory_space<hbm>>, %arg3: memref<32x16x20x64xi32, #tpu.memory_space<hbm>>, %arg4: memref<64x128xf32, #tpu.memory_space<hbm>>, %arg5: memref<20480x128xf32, #tpu.memory_space<hbm>>, %arg6: memref<327680xf32, #tpu.memory_space<hbm>>, %arg7: memref<20x64xi32, #tpu.memory_space<vmem>>, %arg8: memref<64x128xf32, #tpu.memory_space<vmem>>, %arg9: memref<64x128xf32, #tpu.memory_space<vmem>>, %arg10: memref<64x128xf32, #tpu.memory_space<vmem>>, %arg11: memref<10240xf32, #tpu.memory_space<vmem>>, %arg12: memref<10240x128xf32, #tpu.memory_space<vmem_shared>>, %arg13: memref<!tpu.dma_semaphore, #tpu.memory_space<semaphore_mem>>, %arg14: memref<!tpu.dma_semaphore, #tpu.memory_space<semaphore_mem>>, %arg15: memref<!tpu.dma_semaphore, #tpu.memory_space<semaphore_mem>>, %arg16: memref<!tpu.dma_semaphore, #tpu.memory_space<semaphore_mem>>, %arg17: memref<!tpu.dma_semaphore, #tpu.memory_space<semaphore_mem>>, %arg18: memref<!tpu.dma_semaphore, #tpu.memory_space<semaphore_mem>>) attributes {dimension_semantics = [#tpu.dimension_semantics<core_parallel>, #tpu.dimension_semantics<subcore_parallel>], iteration_bounds = array<i64: 2, 16>, scalar_prefetch = 0 : i64, scratch_operands = 12 : i64, tpu.core_type = #tpu.core_type<sc_vector_subcore>, window_params = [{transform_indices = #map}, {transform_indices = #map1}, {transform_indices = #map}, {transform_indices = #map}, {transform_indices = #map2}]} {
    %mul3A = arith.constant 16 : i32
    %mul3A_0 = arith.muli %arg0, %mul3A : i32
    %add3A = arith.addi %mul3A_0, %arg1 : i32
    %mul3A_1 = arith.constant 10240 : i32
    %mul3A_2 = arith.muli %add3A, %mul3A_1 : i32
    %broadcast_in_dim3A = arith.constant 0.000000e+00 : f32
    %broadcast_in_dim3A_3 = vector.broadcast %broadcast_in_dim3A : f32 to vector<16xf32>
    %broadcast_in_dim3A_4 = arith.constant 1.000000e+00 : f32
    %broadcast_in_dim3A_5 = vector.broadcast %broadcast_in_dim3A_4 : f32 to vector<16xf32>
    %scan3A = arith.constant 0 : i32
    %scan3A_6 = arith.constant 0 : i32
    %scan3A_7 = arith.constant 640 : i32
    %scan3A_8 = arith.addi %scan3A_6, %scan3A_7 : i32
    %scan3A_9 = arith.constant 1 : i32
    scf.for %scan3A_419 = %scan3A_6 to %scan3A_8 step %scan3A_9  : i32 {
      %mul3A_420 = arith.constant 16 : i32
      %mul3A_421 = arith.muli %scan3A_419, %mul3A_420 : i32
      %swap3A = arith.index_cast %mul3A_421 : i32 to index
      %swap3A_422 = tpu.vector_load %arg11[%swap3A] {strides = array<i32>} : memref<10240xf32, #tpu.memory_space<vmem>>, vector<16xf32>,
      tpu.vector_store %arg11[%swap3A], %broadcast_in_dim3A_3 {strides = array<i32>} : memref<10240xf32, #tpu.memory_space<vmem>>, vector<16xf32>,
    }
    %scan3A_10 = arith.constant 640 : i32
    "tpu.region"() ({
      %run_scoped3A = tpu.sem_alloc : memref<!tpu.dma_semaphore, #tpu.memory_space<semaphore_mem>>
      tpu.enqueue_dma source(%arg4 : memref<64x128xf32, #tpu.memory_space<hbm>>) target(%arg8 : memref<64x128xf32, #tpu.memory_space<vmem>>) target_semaphore(%run_scoped3A : memref<!tpu.dma_semaphore, #tpu.memory_space<semaphore_mem>>)
      tpu.wait_dma2 semaphore(%run_scoped3A : memref<!tpu.dma_semaphore, #tpu.memory_space<semaphore_mem>>) src(%arg4 : memref<64x128xf32, #tpu.memory_space<hbm>>) dst(%arg8 : memref<64x128xf32, #tpu.memory_space<vmem>>)
      tpu.yield
    }) : () -> ()
    %mul3A_11 = arith.constant 640 : i32
    %mul3A_12 = arith.muli %arg1, %mul3A_11 : i32
    %add3A_13 = arith.constant 0 : i32
    %add3A_14 = arith.addi %mul3A_12, %add3A_13 : i32
    %dma_start3A = arith.constant 0 : i32
    %dma_start3A_15 = tpu.memref_slice %arg12[%add3A_14, %dma_start3A] : memref<10240x128xf32, #tpu.memory_space<vmem_shared>> -> memref<64x128xf32, #tpu.memory_space<vmem_shared>>
    %dma_start3A_16 = arith.constant 0 : i32
    %dma_start3A_17 = tpu.memref_slice %arg12[%add3A_14, %dma_start3A_16] : memref<10240x128xf32, #tpu.memory_space<vmem_shared>> -> memref<64x128xf32, #tpu.memory_space<vmem_shared>>
    tpu.enqueue_dma source(%arg8 : memref<64x128xf32, #tpu.memory_space<vmem>>) target(%dma_start3A_17 : memref<64x128xf32, #tpu.memory_space<vmem_shared>>) target_semaphore(%arg13 : memref<!tpu.dma_semaphore, #tpu.memory_space<semaphore_mem>>)
    %mul3A_18 = arith.constant 640 : i32
    %mul3A_19 = arith.muli %arg1, %mul3A_18 : i32
    %add3A_20 = arith.constant 64 : i32
    %add3A_21 = arith.addi %mul3A_19, %add3A_20 : i32
    %dma_start3A_22 = arith.constant 0 : i32
    %dma_start3A_23 = tpu.memref_slice %arg12[%add3A_21, %dma_start3A_22] : memref<10240x128xf32, #tpu.memory_space<vmem_shared>> -> memref<64x128xf32, #tpu.memory_space<vmem_shared>>
    %dma_start3A_24 = arith.constant 0 : i32
    %dma_start3A_25 = tpu.memref_slice %arg12[%add3A_21, %dma_start3A_24] : memref<10240x128xf32, #tpu.memory_space<vmem_shared>> -> memref<64x128xf32, #tpu.memory_space<vmem_shared>>
    tpu.enqueue_dma source(%arg8 : memref<64x128xf32, #tpu.memory_space<vmem>>) target(%dma_start3A_25 : memref<64x128xf32, #tpu.memory_space<vmem_shared>>) target_semaphore(%arg13 : memref<!tpu.dma_semaphore, #tpu.memory_space<semaphore_mem>>)
    %mul3A_26 = arith.constant 640 : i32
    %mul3A_27 = arith.muli %arg1, %mul3A_26 : i32
    %add3A_28 = arith.constant 128 : i32
    %add3A_29 = arith.addi %mul3A_27, %add3A_28 : i32
    %dma_start3A_30 = arith.constant 0 : i32
    %dma_start3A_31 = tpu.memref_slice %arg12[%add3A_29, %dma_start3A_30] : memref<10240x128xf32, #tpu.memory_space<vmem_shared>> -> memref<64x128xf32, #tpu.memory_space<vmem_shared>>
    %dma_start3A_32 = arith.constant 0 : i32
    %dma_start3A_33 = tpu.memref_slice %arg12[%add3A_29, %dma_start3A_32] : memref<10240x128xf32, #tpu.memory_space<vmem_shared>> -> memref<64x128xf32, #tpu.memory_space<vmem_shared>>
    tpu.enqueue_dma source(%arg8 : memref<64x128xf32, #tpu.memory_space<vmem>>) target(%dma_start3A_33 : memref<64x128xf32, #tpu.memory_space<vmem_shared>>) target_semaphore(%arg13 : memref<!tpu.dma_semaphore, #tpu.memory_space<semaphore_mem>>)
    %mul3A_34 = arith.constant 640 : i32
    %mul3A_35 = arith.muli %arg1, %mul3A_34 : i32
    %add3A_36 = arith.constant 192 : i32
    %add3A_37 = arith.addi %mul3A_35, %add3A_36 : i32
    %dma_start3A_38 = arith.constant 0 : i32
    %dma_start3A_39 = tpu.memref_slice %arg12[%add3A_37, %dma_start3A_38] : memref<10240x128xf32, #tpu.memory_space<vmem_shared>> -> memref<64x128xf32, #tpu.memory_space<vmem_shared>>
    %dma_start3A_40 = arith.constant 0 : i32
    %dma_start3A_41 = tpu.memref_slice %arg12[%add3A_37, %dma_start3A_40] : memref<10240x128xf32, #tpu.memory_space<vmem_shared>> -> memref<64x128xf32, #tpu.memory_space<vmem_shared>>
    tpu.enqueue_dma source(%arg8 : memref<64x128xf32, #tpu.memory_space<vmem>>) target(%dma_start3A_41 : memref<64x128xf32, #tpu.memory_space<vmem_shared>>) target_semaphore(%arg13 : memref<!tpu.dma_semaphore, #tpu.memory_space<semaphore_mem>>)
    %mul3A_42 = arith.constant 640 : i32
    %mul3A_43 = arith.muli %arg1, %mul3A_42 : i32
    %add3A_44 = arith.constant 256 : i32
    %add3A_45 = arith.addi %mul3A_43, %add3A_44 : i32
    %dma_start3A_46 = arith.constant 0 : i32
    %dma_start3A_47 = tpu.memref_slice %arg12[%add3A_45, %dma_start3A_46] : memref<10240x128xf32, #tpu.memory_space<vmem_shared>> -> memref<64x128xf32, #tpu.memory_space<vmem_shared>>
    %dma_start3A_48 = arith.constant 0 : i32
    %dma_start3A_49 = tpu.memref_slice %arg12[%add3A_45, %dma_start3A_48] : memref<10240x128xf32, #tpu.memory_space<vmem_shared>> -> memref<64x128xf32, #tpu.memory_space<vmem_shared>>
    tpu.enqueue_dma source(%arg8 : memref<64x128xf32, #tpu.memory_space<vmem>>) target(%dma_start3A_49 : memref<64x128xf32, #tpu.memory_space<vmem_shared>>) target_semaphore(%arg13 : memref<!tpu.dma_semaphore, #tpu.memory_space<semaphore_mem>>)
    %mul3A_50 = arith.constant 640 : i32
    %mul3A_51 = arith.muli %arg1, %mul3A_50 : i32
    %add3A_52 = arith.constant 320 : i32
    %add3A_53 = arith.addi %mul3A_51, %add3A_52 : i32
    %dma_start3A_54 = arith.constant 0 : i32
    %dma_start3A_55 = tpu.memref_slice %arg12[%add3A_53, %dma_start3A_54] : memref<10240x128xf32, #tpu.memory_space<vmem_shared>> -> memref<64x128xf32, #tpu.memory_space<vmem_shared>>
    %dma_start3A_56 = arith.constant 0 : i32
    %dma_start3A_57 = tpu.memref_slice %arg12[%add3A_53, %dma_start3A_56] : memref<10240x128xf32, #tpu.memory_space<vmem_shared>> -> memref<64x128xf32, #tpu.memory_space<vmem_shared>>
    tpu.enqueue_dma source(%arg8 : memref<64x128xf32, #tpu.memory_space<vmem>>) target(%dma_start3A_57 : memref<64x128xf32, #tpu.memory_space<vmem_shared>>) target_semaphore(%arg13 : memref<!tpu.dma_semaphore, #tpu.memory_space<semaphore_mem>>)
    %mul3A_58 = arith.constant 640 : i32
    %mul3A_59 = arith.muli %arg1, %mul3A_58 : i32
    %add3A_60 = arith.constant 384 : i32
    %add3A_61 = arith.addi %mul3A_59, %add3A_60 : i32
    %dma_start3A_62 = arith.constant 0 : i32
    %dma_start3A_63 = tpu.memref_slice %arg12[%add3A_61, %dma_start3A_62] : memref<10240x128xf32, #tpu.memory_space<vmem_shared>> -> memref<64x128xf32, #tpu.memory_space<vmem_shared>>
    %dma_start3A_64 = arith.constant 0 : i32
    %dma_start3A_65 = tpu.memref_slice %arg12[%add3A_61, %dma_start3A_64] : memref<10240x128xf32, #tpu.memory_space<vmem_shared>> -> memref<64x128xf32, #tpu.memory_space<vmem_shared>>
    tpu.enqueue_dma source(%arg8 : memref<64x128xf32, #tpu.memory_space<vmem>>) target(%dma_start3A_65 : memref<64x128xf32, #tpu.memory_space<vmem_shared>>) target_semaphore(%arg13 : memref<!tpu.dma_semaphore, #tpu.memory_space<semaphore_mem>>)
    %mul3A_66 = arith.constant 640 : i32
    %mul3A_67 = arith.muli %arg1, %mul3A_66 : i32
    %add3A_68 = arith.constant 448 : i32
    %add3A_69 = arith.addi %mul3A_67, %add3A_68 : i32
    %dma_start3A_70 = arith.constant 0 : i32
    %dma_start3A_71 = tpu.memref_slice %arg12[%add3A_69, %dma_start3A_70] : memref<10240x128xf32, #tpu.memory_space<vmem_shared>> -> memref<64x128xf32, #tpu.memory_space<vmem_shared>>
    %dma_start3A_72 = arith.constant 0 : i32
    %dma_start3A_73 = tpu.memref_slice %arg12[%add3A_69, %dma_start3A_72] : memref<10240x128xf32, #tpu.memory_space<vmem_shared>> -> memref<64x128xf32, #tpu.memory_space<vmem_shared>>
    tpu.enqueue_dma source(%arg8 : memref<64x128xf32, #tpu.memory_space<vmem>>) target(%dma_start3A_73 : memref<64x128xf32, #tpu.memory_space<vmem_shared>>) target_semaphore(%arg13 : memref<!tpu.dma_semaphore, #tpu.memory_space<semaphore_mem>>)
    %mul3A_74 = arith.constant 640 : i32
    %mul3A_75 = arith.muli %arg1, %mul3A_74 : i32
    %add3A_76 = arith.constant 512 : i32
    %add3A_77 = arith.addi %mul3A_75, %add3A_76 : i32
    %dma_start3A_78 = arith.constant 0 : i32
    %dma_start3A_79 = tpu.memref_slice %arg12[%add3A_77, %dma_start3A_78] : memref<10240x128xf32, #tpu.memory_space<vmem_shared>> -> memref<64x128xf32, #tpu.memory_space<vmem_shared>>
    %dma_start3A_80 = arith.constant 0 : i32
    %dma_start3A_81 = tpu.memref_slice %arg12[%add3A_77, %dma_start3A_80] : memref<10240x128xf32, #tpu.memory_space<vmem_shared>> -> memref<64x128xf32, #tpu.memory_space<vmem_shared>>
    tpu.enqueue_dma source(%arg8 : memref<64x128xf32, #tpu.memory_space<vmem>>) target(%dma_start3A_81 : memref<64x128xf32, #tpu.memory_space<vmem_shared>>) target_semaphore(%arg13 : memref<!tpu.dma_semaphore, #tpu.memory_space<semaphore_mem>>)
    %mul3A_82 = arith.constant 640 : i32
    %mul3A_83 = arith.muli %arg1, %mul3A_82 : i32
    %add3A_84 = arith.constant 576 : i32
    %add3A_85 = arith.addi %mul3A_83, %add3A_84 : i32
    %dma_start3A_86 = arith.constant 0 : i32
    %dma_start3A_87 = tpu.memref_slice %arg12[%add3A_85, %dma_start3A_86] : memref<10240x128xf32, #tpu.memory_space<vmem_shared>> -> memref<64x128xf32, #tpu.memory_space<vmem_shared>>
    %dma_start3A_88 = arith.constant 0 : i32
    %dma_start3A_89 = tpu.memref_slice %arg12[%add3A_85, %dma_start3A_88] : memref<10240x128xf32, #tpu.memory_space<vmem_shared>> -> memref<64x128xf32, #tpu.memory_space<vmem_shared>>
    tpu.enqueue_dma source(%arg8 : memref<64x128xf32, #tpu.memory_space<vmem>>) target(%dma_start3A_89 : memref<64x128xf32, #tpu.memory_space<vmem_shared>>) target_semaphore(%arg13 : memref<!tpu.dma_semaphore, #tpu.memory_space<semaphore_mem>>)
    %dma_wait3A = arith.constant 0 : i32
    %dma_wait3A_90 = tpu.memref_slice %arg12[%add3A_14, %dma_wait3A] : memref<10240x128xf32, #tpu.memory_space<vmem_shared>> -> memref<64x128xf32, #tpu.memory_space<vmem_shared>>
    %dma_wait3A_91 = arith.constant 0 : i32
    %dma_wait3A_92 = tpu.memref_slice %arg12[%add3A_14, %dma_wait3A_91] : memref<10240x128xf32, #tpu.memory_space<vmem_shared>> -> memref<64x128xf32, #tpu.memory_space<vmem_shared>>
    tpu.wait_dma2 semaphore(%arg13 : memref<!tpu.dma_semaphore, #tpu.memory_space<semaphore_mem>>) src(%arg8 : memref<64x128xf32, #tpu.memory_space<vmem>>) dst(%dma_wait3A_92 : memref<64x128xf32, #tpu.memory_space<vmem_shared>>)
    %dma_wait3A_93 = arith.constant 0 : i32
    %dma_wait3A_94 = tpu.memref_slice %arg12[%add3A_21, %dma_wait3A_93] : memref<10240x128xf32, #tpu.memory_space<vmem_shared>> -> memref<64x128xf32, #tpu.memory_space<vmem_shared>>
    %dma_wait3A_95 = arith.constant 0 : i32
    %dma_wait3A_96 = tpu.memref_slice %arg12[%add3A_21, %dma_wait3A_95] : memref<10240x128xf32, #tpu.memory_space<vmem_shared>> -> memref<64x128xf32, #tpu.memory_space<vmem_shared>>
    tpu.wait_dma2 semaphore(%arg13 : memref<!tpu.dma_semaphore, #tpu.memory_space<semaphore_mem>>) src(%arg8 : memref<64x128xf32, #tpu.memory_space<vmem>>) dst(%dma_wait3A_96 : memref<64x128xf32, #tpu.memory_space<vmem_shared>>)
    %dma_wait3A_97 = arith.constant 0 : i32
    %dma_wait3A_98 = tpu.memref_slice %arg12[%add3A_29, %dma_wait3A_97] : memref<10240x128xf32, #tpu.memory_space<vmem_shared>> -> memref<64x128xf32, #tpu.memory_space<vmem_shared>>
    %dma_wait3A_99 = arith.constant 0 : i32
    %dma_wait3A_100 = tpu.memref_slice %arg12[%add3A_29, %dma_wait3A_99] : memref<10240x128xf32, #tpu.memory_space<vmem_shared>> -> memref<64x128xf32, #tpu.memory_space<vmem_shared>>
    tpu.wait_dma2 semaphore(%arg13 : memref<!tpu.dma_semaphore, #tpu.memory_space<semaphore_mem>>) src(%arg8 : memref<64x128xf32, #tpu.memory_space<vmem>>) dst(%dma_wait3A_100 : memref<64x128xf32, #tpu.memory_space<vmem_shared>>)
    %dma_wait3A_101 = arith.constant 0 : i32
    %dma_wait3A_102 = tpu.memref_slice %arg12[%add3A_37, %dma_wait3A_101] : memref<10240x128xf32, #tpu.memory_space<vmem_shared>> -> memref<64x128xf32, #tpu.memory_space<vmem_shared>>
    %dma_wait3A_103 = arith.constant 0 : i32
    %dma_wait3A_104 = tpu.memref_slice %arg12[%add3A_37, %dma_wait3A_103] : memref<10240x128xf32, #tpu.memory_space<vmem_shared>> -> memref<64x128xf32, #tpu.memory_space<vmem_shared>>
    tpu.wait_dma2 semaphore(%arg13 : memref<!tpu.dma_semaphore, #tpu.memory_space<semaphore_mem>>) src(%arg8 : memref<64x128xf32, #tpu.memory_space<vmem>>) dst(%dma_wait3A_104 : memref<64x128xf32, #tpu.memory_space<vmem_shared>>)
    %dma_wait3A_105 = arith.constant 0 : i32
    %dma_wait3A_106 = tpu.memref_slice %arg12[%add3A_45, %dma_wait3A_105] : memref<10240x128xf32, #tpu.memory_space<vmem_shared>> -> memref<64x128xf32, #tpu.memory_space<vmem_shared>>
    %dma_wait3A_107 = arith.constant 0 : i32
    %dma_wait3A_108 = tpu.memref_slice %arg12[%add3A_45, %dma_wait3A_107] : memref<10240x128xf32, #tpu.memory_space<vmem_shared>> -> memref<64x128xf32, #tpu.memory_space<vmem_shared>>
    tpu.wait_dma2 semaphore(%arg13 : memref<!tpu.dma_semaphore, #tpu.memory_space<semaphore_mem>>) src(%arg8 : memref<64x128xf32, #tpu.memory_space<vmem>>) dst(%dma_wait3A_108 : memref<64x128xf32, #tpu.memory_space<vmem_shared>>)
    %dma_wait3A_109 = arith.constant 0 : i32
    %dma_wait3A_110 = tpu.memref_slice %arg12[%add3A_53, %dma_wait3A_109] : memref<10240x128xf32, #tpu.memory_space<vmem_shared>> -> memref<64x128xf32, #tpu.memory_space<vmem_shared>>
    %dma_wait3A_111 = arith.constant 0 : i32
    %dma_wait3A_112 = tpu.memref_slice %arg12[%add3A_53, %dma_wait3A_111] : memref<10240x128xf32, #tpu.memory_space<vmem_shared>> -> memref<64x128xf32, #tpu.memory_space<vmem_shared>>
    tpu.wait_dma2 semaphore(%arg13 : memref<!tpu.dma_semaphore, #tpu.memory_space<semaphore_mem>>) src(%arg8 : memref<64x128xf32, #tpu.memory_space<vmem>>) dst(%dma_wait3A_112 : memref<64x128xf32, #tpu.memory_space<vmem_shared>>)
    %dma_wait3A_113 = arith.constant 0 : i32
    %dma_wait3A_114 = tpu.memref_slice %arg12[%add3A_61, %dma_wait3A_113] : memref<10240x128xf32, #tpu.memory_space<vmem_shared>> -> memref<64x128xf32, #tpu.memory_space<vmem_shared>>
    %dma_wait3A_115 = arith.constant 0 : i32
    %dma_wait3A_116 = tpu.memref_slice %arg12[%add3A_61, %dma_wait3A_115] : memref<10240x128xf32, #tpu.memory_space<vmem_shared>> -> memref<64x128xf32, #tpu.memory_space<vmem_shared>>
    tpu.wait_dma2 semaphore(%arg13 : memref<!tpu.dma_semaphore, #tpu.memory_space<semaphore_mem>>) src(%arg8 : memref<64x128xf32, #tpu.memory_space<vmem>>) dst(%dma_wait3A_116 : memref<64x128xf32, #tpu.memory_space<vmem_shared>>)
    %dma_wait3A_117 = arith.constant 0 : i32
    %dma_wait3A_118 = tpu.memref_slice %arg12[%add3A_69, %dma_wait3A_117] : memref<10240x128xf32, #tpu.memory_space<vmem_shared>> -> memref<64x128xf32, #tpu.memory_space<vmem_shared>>
    %dma_wait3A_119 = arith.constant 0 : i32
    %dma_wait3A_120 = tpu.memref_slice %arg12[%add3A_69, %dma_wait3A_119] : memref<10240x128xf32, #tpu.memory_space<vmem_shared>> -> memref<64x128xf32, #tpu.memory_space<vmem_shared>>
    tpu.wait_dma2 semaphore(%arg13 : memref<!tpu.dma_semaphore, #tpu.memory_space<semaphore_mem>>) src(%arg8 : memref<64x128xf32, #tpu.memory_space<vmem>>) dst(%dma_wait3A_120 : memref<64x128xf32, #tpu.memory_space<vmem_shared>>)
    %dma_wait3A_121 = arith.constant 0 : i32
    %dma_wait3A_122 = tpu.memref_slice %arg12[%add3A_77, %dma_wait3A_121] : memref<10240x128xf32, #tpu.memory_space<vmem_shared>> -> memref<64x128xf32, #tpu.memory_space<vmem_shared>>
    %dma_wait3A_123 = arith.constant 0 : i32
    %dma_wait3A_124 = tpu.memref_slice %arg12[%add3A_77, %dma_wait3A_123] : memref<10240x128xf32, #tpu.memory_space<vmem_shared>> -> memref<64x128xf32, #tpu.memory_space<vmem_shared>>
    tpu.wait_dma2 semaphore(%arg13 : memref<!tpu.dma_semaphore, #tpu.memory_space<semaphore_mem>>) src(%arg8 : memref<64x128xf32, #tpu.memory_space<vmem>>) dst(%dma_wait3A_124 : memref<64x128xf32, #tpu.memory_space<vmem_shared>>)
    %dma_wait3A_125 = arith.constant 0 : i32
    %dma_wait3A_126 = tpu.memref_slice %arg12[%add3A_85, %dma_wait3A_125] : memref<10240x128xf32, #tpu.memory_space<vmem_shared>> -> memref<64x128xf32, #tpu.memory_space<vmem_shared>>
    %dma_wait3A_127 = arith.constant 0 : i32
    %dma_wait3A_128 = tpu.memref_slice %arg12[%add3A_85, %dma_wait3A_127] : memref<10240x128xf32, #tpu.memory_space<vmem_shared>> -> memref<64x128xf32, #tpu.memory_space<vmem_shared>>
    tpu.wait_dma2 semaphore(%arg13 : memref<!tpu.dma_semaphore, #tpu.memory_space<semaphore_mem>>) src(%arg8 : memref<64x128xf32, #tpu.memory_space<vmem>>) dst(%dma_wait3A_128 : memref<64x128xf32, #tpu.memory_space<vmem_shared>>)
    %barrier3A = arith.constant 0 : index
    tpu.barrier barrier_id(%barrier3A)
    %scan3A_129 = arith.constant 0 : i32
    %scan3A_130 = arith.constant 0 : i32
    %scan3A_131 = arith.constant 16 : i32
    %scan3A_132 = arith.addi %scan3A_130, %scan3A_131 : i32
    %scan3A_133 = arith.constant 1 : i32
    scf.for %scan3A_419 = %scan3A_130 to %scan3A_132 step %scan3A_133  : i32 {
      "tpu.region"() ({
        %run_scoped3A = tpu.sem_alloc : memref<!tpu.dma_semaphore, #tpu.memory_space<semaphore_mem>>
        %dma_start3A_859 = arith.constant 0 : i32
        %dma_start3A_860 = arith.constant 0 : i32
        %dma_start3A_861 = tpu.memref_slice %arg3[%add3A, %scan3A_419, %dma_start3A_859, %dma_start3A_860] : memref<32x16x20x64xi32, #tpu.memory_space<hbm>> -> memref<1x1x20x64xi32, #tpu.memory_space<hbm>>
        %dma_start3A_862 = tpu.memref_squeeze %dma_start3A_861 : memref<1x1x20x64xi32, #tpu.memory_space<hbm>> -> memref<20x64xi32, #tpu.memory_space<hbm>>
        %dma_start3A_863 = arith.constant 0 : i32
        %dma_start3A_864 = arith.constant 0 : i32
        %dma_start3A_865 = tpu.memref_slice %arg3[%add3A, %scan3A_419, %dma_start3A_863, %dma_start3A_864] : memref<32x16x20x64xi32, #tpu.memory_space<hbm>> -> memref<1x1x20x64xi32, #tpu.memory_space<hbm>>
        %dma_start3A_866 = tpu.memref_squeeze %dma_start3A_865 : memref<1x1x20x64xi32, #tpu.memory_space<hbm>> -> memref<20x64xi32, #tpu.memory_space<hbm>>
        tpu.enqueue_dma source(%dma_start3A_866 : memref<20x64xi32, #tpu.memory_space<hbm>>) target(%arg7 : memref<20x64xi32, #tpu.memory_space<vmem>>) target_semaphore(%run_scoped3A : memref<!tpu.dma_semaphore, #tpu.memory_space<semaphore_mem>>)
        %dma_wait3A_867 = arith.constant 0 : i32
        %dma_wait3A_868 = arith.constant 0 : i32
        %dma_wait3A_869 = tpu.memref_slice %arg3[%add3A, %scan3A_419, %dma_wait3A_867, %dma_wait3A_868] : memref<32x16x20x64xi32, #tpu.memory_space<hbm>> -> memref<1x1x20x64xi32, #tpu.memory_space<hbm>>
        %dma_wait3A_870 = tpu.memref_squeeze %dma_wait3A_869 : memref<1x1x20x64xi32, #tpu.memory_space<hbm>> -> memref<20x64xi32, #tpu.memory_space<hbm>>
        %dma_wait3A_871 = arith.constant 0 : i32
        %dma_wait3A_872 = arith.constant 0 : i32
        %dma_wait3A_873 = tpu.memref_slice %arg3[%add3A, %scan3A_419, %dma_wait3A_871, %dma_wait3A_872] : memref<32x16x20x64xi32, #tpu.memory_space<hbm>> -> memref<1x1x20x64xi32, #tpu.memory_space<hbm>>
        %dma_wait3A_874 = tpu.memref_squeeze %dma_wait3A_873 : memref<1x1x20x64xi32, #tpu.memory_space<hbm>> -> memref<20x64xi32, #tpu.memory_space<hbm>>
        tpu.wait_dma2 semaphore(%run_scoped3A : memref<!tpu.dma_semaphore, #tpu.memory_space<semaphore_mem>>) src(%dma_wait3A_874 : memref<20x64xi32, #tpu.memory_space<hbm>>) dst(%arg7 : memref<20x64xi32, #tpu.memory_space<vmem>>)
        tpu.yield
      }) : () -> ()
      %dma_start3A_420 = arith.constant 0 : i32
      %dma_start3A_421 = arith.constant 0 : i32
      %dma_start3A_422 = tpu.memref_slice %arg7[%dma_start3A_420, %dma_start3A_421] : memref<20x64xi32, #tpu.memory_space<vmem>> -> memref<1x64xi32, #tpu.memory_space<vmem>>
      %dma_start3A_423 = tpu.memref_squeeze %dma_start3A_422 : memref<1x64xi32, #tpu.memory_space<vmem>> -> memref<64xi32, #tpu.memory_space<vmem>>
      %dma_start3A_424 = arith.constant 0 : i32
      %dma_start3A_425 = arith.constant 0 : i32
      %dma_start3A_426 = tpu.memref_slice %arg2[%dma_start3A_424, %dma_start3A_425] : memref<10000x128xf32, #tpu.memory_space<hbm>> -> memref<10000x128xf32, #tpu.memory_space<hbm>>
      tpu.enqueue_indirect_dma source(%dma_start3A_426 : memref<10000x128xf32, #tpu.memory_space<hbm>>) target(%arg8 : memref<64x128xf32, #tpu.memory_space<vmem>>) offsets(%dma_start3A_423 : memref<64xi32, #tpu.memory_space<vmem>>) semaphore(%arg13 : memref<!tpu.dma_semaphore, #tpu.memory_space<semaphore_mem>>)
      %dma_start3A_427 = arith.constant 1 : i32
      %dma_start3A_428 = arith.constant 0 : i32
      %dma_start3A_429 = tpu.memref_slice %arg7[%dma_start3A_427, %dma_start3A_428] : memref<20x64xi32, #tpu.memory_space<vmem>> -> memref<1x64xi32, #tpu.memory_space<vmem>>
      %dma_start3A_430 = tpu.memref_squeeze %dma_start3A_429 : memref<1x64xi32, #tpu.memory_space<vmem>> -> memref<64xi32, #tpu.memory_space<vmem>>
      %dma_start3A_431 = arith.constant 0 : i32
      %dma_start3A_432 = arith.constant 0 : i32
      %dma_start3A_433 = tpu.memref_slice %arg2[%dma_start3A_431, %dma_start3A_432] : memref<10000x128xf32, #tpu.memory_space<hbm>> -> memref<10000x128xf32, #tpu.memory_space<hbm>>
      tpu.enqueue_indirect_dma source(%dma_start3A_433 : memref<10000x128xf32, #tpu.memory_space<hbm>>) target(%arg9 : memref<64x128xf32, #tpu.memory_space<vmem>>) offsets(%dma_start3A_430 : memref<64xi32, #tpu.memory_space<vmem>>) semaphore(%arg14 : memref<!tpu.dma_semaphore, #tpu.memory_space<semaphore_mem>>)
      %dma_wait3A_434 = arith.constant 0 : i32
      %dma_wait3A_435 = arith.constant 0 : i32
      %dma_wait3A_436 = tpu.memref_slice %arg7[%dma_wait3A_434, %dma_wait3A_435] : memref<20x64xi32, #tpu.memory_space<vmem>> -> memref<1x64xi32, #tpu.memory_space<vmem>>
      %dma_wait3A_437 = tpu.memref_squeeze %dma_wait3A_436 : memref<1x64xi32, #tpu.memory_space<vmem>> -> memref<64xi32, #tpu.memory_space<vmem>>
      %dma_wait3A_438 = arith.constant 0 : i32
      %dma_wait3A_439 = arith.constant 0 : i32
      %dma_wait3A_440 = tpu.memref_slice %arg2[%dma_wait3A_438, %dma_wait3A_439] : memref<10000x128xf32, #tpu.memory_space<hbm>> -> memref<10000x128xf32, #tpu.memory_space<hbm>>
      tpu.wait_indirect_dma semaphore(%arg13 : memref<!tpu.dma_semaphore, #tpu.memory_space<semaphore_mem>>) src(%dma_wait3A_440 : memref<10000x128xf32, #tpu.memory_space<hbm>>) dst(%arg8 : memref<64x128xf32, #tpu.memory_space<vmem>>)
      %dma_start3A_441 = arith.constant 10 : i32
      %dma_start3A_442 = arith.constant 0 : i32
      %dma_start3A_443 = tpu.memref_slice %arg7[%dma_start3A_441, %dma_start3A_442] : memref<20x64xi32, #tpu.memory_space<vmem>> -> memref<1x64xi32, #tpu.memory_space<vmem>>
      %dma_start3A_444 = tpu.memref_squeeze %dma_start3A_443 : memref<1x64xi32, #tpu.memory_space<vmem>> -> memref<64xi32, #tpu.memory_space<vmem>>
      %dma_start3A_445 = arith.constant 0 : i32
      %dma_start3A_446 = arith.constant 0 : i32
      %dma_start3A_447 = tpu.memref_slice %arg12[%dma_start3A_445, %dma_start3A_446] : memref<10240x128xf32, #tpu.memory_space<vmem_shared>> -> memref<10240x128xf32, #tpu.memory_space<vmem_shared>>
      tpu.enqueue_indirect_dma source(%arg8 : memref<64x128xf32, #tpu.memory_space<vmem>>) target(%dma_start3A_447 : memref<10240x128xf32, #tpu.memory_space<vmem_shared>>) offsets(%dma_start3A_444 : memref<64xi32, #tpu.memory_space<vmem>>) semaphore(%arg16 : memref<!tpu.dma_semaphore, #tpu.memory_space<semaphore_mem>>) {add = true}
      %dma_start3A_448 = arith.constant 2 : i32
      %dma_start3A_449 = arith.constant 0 : i32
      %dma_start3A_450 = tpu.memref_slice %arg7[%dma_start3A_448, %dma_start3A_449] : memref<20x64xi32, #tpu.memory_space<vmem>> -> memref<1x64xi32, #tpu.memory_space<vmem>>
      %dma_start3A_451 = tpu.memref_squeeze %dma_start3A_450 : memref<1x64xi32, #tpu.memory_space<vmem>> -> memref<64xi32, #tpu.memory_space<vmem>>
      %dma_start3A_452 = arith.constant 0 : i32
      %dma_start3A_453 = arith.constant 0 : i32
      %dma_start3A_454 = tpu.memref_slice %arg2[%dma_start3A_452, %dma_start3A_453] : memref<10000x128xf32, #tpu.memory_space<hbm>> -> memref<10000x128xf32, #tpu.memory_space<hbm>>
      tpu.enqueue_indirect_dma source(%dma_start3A_454 : memref<10000x128xf32, #tpu.memory_space<hbm>>) target(%arg10 : memref<64x128xf32, #tpu.memory_space<vmem>>) offsets(%dma_start3A_451 : memref<64xi32, #tpu.memory_space<vmem>>) semaphore(%arg15 : memref<!tpu.dma_semaphore, #tpu.memory_space<semaphore_mem>>)
      %get3A = arith.constant 10 : i32
      %get3A_455 = arith.index_cast %get3A : i32 to index
      %get3A_456 = arith.constant 0 : index
      %get3A_457 = tpu.vector_load %arg7[%get3A_455, %get3A_456] {strides = array<i32>} : memref<20x64xi32, #tpu.memory_space<vmem>>, vector<16xi32>,
      tpu.vector_store_idx %arg11[%get3A_457], %broadcast_in_dim3A_5 {add = true} : memref<10240xf32, #tpu.memory_space<vmem>>[vector<16xi32>], vector<16xf32>,
      %get3A_458 = arith.constant 10 : i32
      %get3A_459 = arith.index_cast %get3A_458 : i32 to index
      %get3A_460 = arith.constant 16 : index
      %get3A_461 = tpu.vector_load %arg7[%get3A_459, %get3A_460] {strides = array<i32>} : memref<20x64xi32, #tpu.memory_space<vmem>>, vector<16xi32>,
      tpu.vector_store_idx %arg11[%get3A_461], %broadcast_in_dim3A_5 {add = true} : memref<10240xf32, #tpu.memory_space<vmem>>[vector<16xi32>], vector<16xf32>,
      %get3A_462 = arith.constant 10 : i32
      %get3A_463 = arith.index_cast %get3A_462 : i32 to index
      %get3A_464 = arith.constant 32 : index
      %get3A_465 = tpu.vector_load %arg7[%get3A_463, %get3A_464] {strides = array<i32>} : memref<20x64xi32, #tpu.memory_space<vmem>>, vector<16xi32>,
      tpu.vector_store_idx %arg11[%get3A_465], %broadcast_in_dim3A_5 {add = true} : memref<10240xf32, #tpu.memory_space<vmem>>[vector<16xi32>], vector<16xf32>,
      %get3A_466 = arith.constant 10 : i32
      %get3A_467 = arith.index_cast %get3A_466 : i32 to index
      %get3A_468 = arith.constant 48 : index
      %get3A_469 = tpu.vector_load %arg7[%get3A_467, %get3A_468] {strides = array<i32>} : memref<20x64xi32, #tpu.memory_space<vmem>>, vector<16xi32>,
      tpu.vector_store_idx %arg11[%get3A_469], %broadcast_in_dim3A_5 {add = true} : memref<10240xf32, #tpu.memory_space<vmem>>[vector<16xi32>], vector<16xf32>,
      %dma_wait3A_470 = arith.constant 1 : i32
      %dma_wait3A_471 = arith.constant 0 : i32
      %dma_wait3A_472 = tpu.memref_slice %arg7[%dma_wait3A_470, %dma_wait3A_471] : memref<20x64xi32, #tpu.memory_space<vmem>> -> memref<1x64xi32, #tpu.memory_space<vmem>>
      %dma_wait3A_473 = tpu.memref_squeeze %dma_wait3A_472 : memref<1x64xi32, #tpu.memory_space<vmem>> -> memref<64xi32, #tpu.memory_space<vmem>>
      %dma_wait3A_474 = arith.constant 0 : i32
      %dma_wait3A_475 = arith.constant 0 : i32
      %dma_wait3A_476 = tpu.memref_slice %arg2[%dma_wait3A_474, %dma_wait3A_475] : memref<10000x128xf32, #tpu.memory_space<hbm>> -> memref<10000x128xf32, #tpu.memory_space<hbm>>
      tpu.wait_indirect_dma semaphore(%arg14 : memref<!tpu.dma_semaphore, #tpu.memory_space<semaphore_mem>>) src(%dma_wait3A_476 : memref<10000x128xf32, #tpu.memory_space<hbm>>) dst(%arg9 : memref<64x128xf32, #tpu.memory_space<vmem>>)
      %dma_start3A_477 = arith.constant 11 : i32
      %dma_start3A_478 = arith.constant 0 : i32
      %dma_start3A_479 = tpu.memref_slice %arg7[%dma_start3A_477, %dma_start3A_478] : memref<20x64xi32, #tpu.memory_space<vmem>> -> memref<1x64xi32, #tpu.memory_space<vmem>>
      %dma_start3A_480 = tpu.memref_squeeze %dma_start3A_479 : memref<1x64xi32, #tpu.memory_space<vmem>> -> memref<64xi32, #tpu.memory_space<vmem>>
      %dma_start3A_481 = arith.constant 0 : i32
      %dma_start3A_482 = arith.constant 0 : i32
      %dma_start3A_483 = tpu.memref_slice %arg12[%dma_start3A_481, %dma_start3A_482] : memref<10240x128xf32, #tpu.memory_space<vmem_shared>> -> memref<10240x128xf32, #tpu.memory_space<vmem_shared>>
      tpu.enqueue_indirect_dma source(%arg9 : memref<64x128xf32, #tpu.memory_space<vmem>>) target(%dma_start3A_483 : memref<10240x128xf32, #tpu.memory_space<vmem_shared>>) offsets(%dma_start3A_480 : memref<64xi32, #tpu.memory_space<vmem>>) semaphore(%arg17 : memref<!tpu.dma_semaphore, #tpu.memory_space<semaphore_mem>>) {add = true}
      %dma_wait3A_484 = arith.constant 10 : i32
      %dma_wait3A_485 = arith.constant 0 : i32
      %dma_wait3A_486 = tpu.memref_slice %arg7[%dma_wait3A_484, %dma_wait3A_485] : memref<20x64xi32, #tpu.memory_space<vmem>> -> memref<1x64xi32, #tpu.memory_space<vmem>>
      %dma_wait3A_487 = tpu.memref_squeeze %dma_wait3A_486 : memref<1x64xi32, #tpu.memory_space<vmem>> -> memref<64xi32, #tpu.memory_space<vmem>>
      %dma_wait3A_488 = arith.constant 0 : i32
      %dma_wait3A_489 = arith.constant 0 : i32
      %dma_wait3A_490 = tpu.memref_slice %arg12[%dma_wait3A_488, %dma_wait3A_489] : memref<10240x128xf32, #tpu.memory_space<vmem_shared>> -> memref<10240x128xf32, #tpu.memory_space<vmem_shared>>
      tpu.wait_indirect_dma semaphore(%arg16 : memref<!tpu.dma_semaphore, #tpu.memory_space<semaphore_mem>>) src(%arg8 : memref<64x128xf32, #tpu.memory_space<vmem>>) dst(%dma_wait3A_490 : memref<10240x128xf32, #tpu.memory_space<vmem_shared>>)
      %dma_start3A_491 = arith.constant 3 : i32
      %dma_start3A_492 = arith.constant 0 : i32
      %dma_start3A_493 = tpu.memref_slice %arg7[%dma_start3A_491, %dma_start3A_492] : memref<20x64xi32, #tpu.memory_space<vmem>> -> memref<1x64xi32, #tpu.memory_space<vmem>>
      %dma_start3A_494 = tpu.memref_squeeze %dma_start3A_493 : memref<1x64xi32, #tpu.memory_space<vmem>> -> memref<64xi32, #tpu.memory_space<vmem>>
      %dma_start3A_495 = arith.constant 0 : i32
      %dma_start3A_496 = arith.constant 0 : i32
      %dma_start3A_497 = tpu.memref_slice %arg2[%dma_start3A_495, %dma_start3A_496] : memref<10000x128xf32, #tpu.memory_space<hbm>> -> memref<10000x128xf32, #tpu.memory_space<hbm>>
      tpu.enqueue_indirect_dma source(%dma_start3A_497 : memref<10000x128xf32, #tpu.memory_space<hbm>>) target(%arg8 : memref<64x128xf32, #tpu.memory_space<vmem>>) offsets(%dma_start3A_494 : memref<64xi32, #tpu.memory_space<vmem>>) semaphore(%arg13 : memref<!tpu.dma_semaphore, #tpu.memory_space<semaphore_mem>>)
      %get3A_498 = arith.constant 11 : i32
      %get3A_499 = arith.index_cast %get3A_498 : i32 to index
      %get3A_500 = arith.constant 0 : index
      %get3A_501 = tpu.vector_load %arg7[%get3A_499, %get3A_500] {strides = array<i32>} : memref<20x64xi32, #tpu.memory_space<vmem>>, vector<16xi32>,
      tpu.vector_store_idx %arg11[%get3A_501], %broadcast_in_dim3A_5 {add = true} : memref<10240xf32, #tpu.memory_space<vmem>>[vector<16xi32>], vector<16xf32>,
      %get3A_502 = arith.constant 11 : i32
      %get3A_503 = arith.index_cast %get3A_502 : i32 to index
      %get3A_504 = arith.constant 16 : index
      %get3A_505 = tpu.vector_load %arg7[%get3A_503, %get3A_504] {strides = array<i32>} : memref<20x64xi32, #tpu.memory_space<vmem>>, vector<16xi32>,
      tpu.vector_store_idx %arg11[%get3A_505], %broadcast_in_dim3A_5 {add = true} : memref<10240xf32, #tpu.memory_space<vmem>>[vector<16xi32>], vector<16xf32>,
      %get3A_506 = arith.constant 11 : i32
      %get3A_507 = arith.index_cast %get3A_506 : i32 to index
      %get3A_508 = arith.constant 32 : index
      %get3A_509 = tpu.vector_load %arg7[%get3A_507, %get3A_508] {strides = array<i32>} : memref<20x64xi32, #tpu.memory_space<vmem>>, vector<16xi32>,
      tpu.vector_store_idx %arg11[%get3A_509], %broadcast_in_dim3A_5 {add = true} : memref<10240xf32, #tpu.memory_space<vmem>>[vector<16xi32>], vector<16xf32>,
      %get3A_510 = arith.constant 11 : i32
      %get3A_511 = arith.index_cast %get3A_510 : i32 to index
      %get3A_512 = arith.constant 48 : index
      %get3A_513 = tpu.vector_load %arg7[%get3A_511, %get3A_512] {strides = array<i32>} : memref<20x64xi32, #tpu.memory_space<vmem>>, vector<16xi32>,
      tpu.vector_store_idx %arg11[%get3A_513], %broadcast_in_dim3A_5 {add = true} : memref<10240xf32, #tpu.memory_space<vmem>>[vector<16xi32>], vector<16xf32>,
      %dma_wait3A_514 = arith.constant 2 : i32
      %dma_wait3A_515 = arith.constant 0 : i32
      %dma_wait3A_516 = tpu.memref_slice %arg7[%dma_wait3A_514, %dma_wait3A_515] : memref<20x64xi32, #tpu.memory_space<vmem>> -> memref<1x64xi32, #tpu.memory_space<vmem>>
      %dma_wait3A_517 = tpu.memref_squeeze %dma_wait3A_516 : memref<1x64xi32, #tpu.memory_space<vmem>> -> memref<64xi32, #tpu.memory_space<vmem>>
      %dma_wait3A_518 = arith.constant 0 : i32
      %dma_wait3A_519 = arith.constant 0 : i32
      %dma_wait3A_520 = tpu.memref_slice %arg2[%dma_wait3A_518, %dma_wait3A_519] : memref<10000x128xf32, #tpu.memory_space<hbm>> -> memref<10000x128xf32, #tpu.memory_space<hbm>>
      tpu.wait_indirect_dma semaphore(%arg15 : memref<!tpu.dma_semaphore, #tpu.memory_space<semaphore_mem>>) src(%dma_wait3A_520 : memref<10000x128xf32, #tpu.memory_space<hbm>>) dst(%arg10 : memref<64x128xf32, #tpu.memory_space<vmem>>)
      %dma_start3A_521 = arith.constant 12 : i32
      %dma_start3A_522 = arith.constant 0 : i32
      %dma_start3A_523 = tpu.memref_slice %arg7[%dma_start3A_521, %dma_start3A_522] : memref<20x64xi32, #tpu.memory_space<vmem>> -> memref<1x64xi32, #tpu.memory_space<vmem>>
      %dma_start3A_524 = tpu.memref_squeeze %dma_start3A_523 : memref<1x64xi32, #tpu.memory_space<vmem>> -> memref<64xi32, #tpu.memory_space<vmem>>
      %dma_start3A_525 = arith.constant 0 : i32
      %dma_start3A_526 = arith.constant 0 : i32
      %dma_start3A_527 = tpu.memref_slice %arg12[%dma_start3A_525, %dma_start3A_526] : memref<10240x128xf32, #tpu.memory_space<vmem_shared>> -> memref<10240x128xf32, #tpu.memory_space<vmem_shared>>
      tpu.enqueue_indirect_dma source(%arg10 : memref<64x128xf32, #tpu.memory_space<vmem>>) target(%dma_start3A_527 : memref<10240x128xf32, #tpu.memory_space<vmem_shared>>) offsets(%dma_start3A_524 : memref<64xi32, #tpu.memory_space<vmem>>) semaphore(%arg18 : memref<!tpu.dma_semaphore, #tpu.memory_space<semaphore_mem>>) {add = true}
      %dma_wait3A_528 = arith.constant 11 : i32
      %dma_wait3A_529 = arith.constant 0 : i32
      %dma_wait3A_530 = tpu.memref_slice %arg7[%dma_wait3A_528, %dma_wait3A_529] : memref<20x64xi32, #tpu.memory_space<vmem>> -> memref<1x64xi32, #tpu.memory_space<vmem>>
      %dma_wait3A_531 = tpu.memref_squeeze %dma_wait3A_530 : memref<1x64xi32, #tpu.memory_space<vmem>> -> memref<64xi32, #tpu.memory_space<vmem>>
      %dma_wait3A_532 = arith.constant 0 : i32
      %dma_wait3A_533 = arith.constant 0 : i32
      %dma_wait3A_534 = tpu.memref_slice %arg12[%dma_wait3A_532, %dma_wait3A_533] : memref<10240x128xf32, #tpu.memory_space<vmem_shared>> -> memref<10240x128xf32, #tpu.memory_space<vmem_shared>>
      tpu.wait_indirect_dma semaphore(%arg17 : memref<!tpu.dma_semaphore, #tpu.memory_space<semaphore_mem>>) src(%arg9 : memref<64x128xf32, #tpu.memory_space<vmem>>) dst(%dma_wait3A_534 : memref<10240x128xf32, #tpu.memory_space<vmem_shared>>)
      %dma_start3A_535 = arith.constant 4 : i32
      %dma_start3A_536 = arith.constant 0 : i32
      %dma_start3A_537 = tpu.memref_slice %arg7[%dma_start3A_535, %dma_start3A_536] : memref<20x64xi32, #tpu.memory_space<vmem>> -> memref<1x64xi32, #tpu.memory_space<vmem>>
      %dma_start3A_538 = tpu.memref_squeeze %dma_start3A_537 : memref<1x64xi32, #tpu.memory_space<vmem>> -> memref<64xi32, #tpu.memory_space<vmem>>
      %dma_start3A_539 = arith.constant 0 : i32
      %dma_start3A_540 = arith.constant 0 : i32
      %dma_start3A_541 = tpu.memref_slice %arg2[%dma_start3A_539, %dma_start3A_540] : memref<10000x128xf32, #tpu.memory_space<hbm>> -> memref<10000x128xf32, #tpu.memory_space<hbm>>
      tpu.enqueue_indirect_dma source(%dma_start3A_541 : memref<10000x128xf32, #tpu.memory_space<hbm>>) target(%arg9 : memref<64x128xf32, #tpu.memory_space<vmem>>) offsets(%dma_start3A_538 : memref<64xi32, #tpu.memory_space<vmem>>) semaphore(%arg14 : memref<!tpu.dma_semaphore, #tpu.memory_space<semaphore_mem>>)
      %get3A_542 = arith.constant 12 : i32
      %get3A_543 = arith.index_cast %get3A_542 : i32 to index
      %get3A_544 = arith.constant 0 : index
      %get3A_545 = tpu.vector_load %arg7[%get3A_543, %get3A_544] {strides = array<i32>} : memref<20x64xi32, #tpu.memory_space<vmem>>, vector<16xi32>,
      tpu.vector_store_idx %arg11[%get3A_545], %broadcast_in_dim3A_5 {add = true} : memref<10240xf32, #tpu.memory_space<vmem>>[vector<16xi32>], vector<16xf32>,
      %get3A_546 = arith.constant 12 : i32
      %get3A_547 = arith.index_cast %get3A_546 : i32 to index
      %get3A_548 = arith.constant 16 : index
      %get3A_549 = tpu.vector_load %arg7[%get3A_547, %get3A_548] {strides = array<i32>} : memref<20x64xi32, #tpu.memory_space<vmem>>, vector<16xi32>,
      tpu.vector_store_idx %arg11[%get3A_549], %broadcast_in_dim3A_5 {add = true} : memref<10240xf32, #tpu.memory_space<vmem>>[vector<16xi32>], vector<16xf32>,
      %get3A_550 = arith.constant 12 : i32
      %get3A_551 = arith.index_cast %get3A_550 : i32 to index
      %get3A_552 = arith.constant 32 : index
      %get3A_553 = tpu.vector_load %arg7[%get3A_551, %get3A_552] {strides = array<i32>} : memref<20x64xi32, #tpu.memory_space<vmem>>, vector<16xi32>,
      tpu.vector_store_idx %arg11[%get3A_553], %broadcast_in_dim3A_5 {add = true} : memref<10240xf32, #tpu.memory_space<vmem>>[vector<16xi32>], vector<16xf32>,
      %get3A_554 = arith.constant 12 : i32
      %get3A_555 = arith.index_cast %get3A_554 : i32 to index
      %get3A_556 = arith.constant 48 : index
      %get3A_557 = tpu.vector_load %arg7[%get3A_555, %get3A_556] {strides = array<i32>} : memref<20x64xi32, #tpu.memory_space<vmem>>, vector<16xi32>,
      tpu.vector_store_idx %arg11[%get3A_557], %broadcast_in_dim3A_5 {add = true} : memref<10240xf32, #tpu.memory_space<vmem>>[vector<16xi32>], vector<16xf32>,
      %dma_wait3A_558 = arith.constant 3 : i32
      %dma_wait3A_559 = arith.constant 0 : i32
      %dma_wait3A_560 = tpu.memref_slice %arg7[%dma_wait3A_558, %dma_wait3A_559] : memref<20x64xi32, #tpu.memory_space<vmem>> -> memref<1x64xi32, #tpu.memory_space<vmem>>
      %dma_wait3A_561 = tpu.memref_squeeze %dma_wait3A_560 : memref<1x64xi32, #tpu.memory_space<vmem>> -> memref<64xi32, #tpu.memory_space<vmem>>
      %dma_wait3A_562 = arith.constant 0 : i32
      %dma_wait3A_563 = arith.constant 0 : i32
      %dma_wait3A_564 = tpu.memref_slice %arg2[%dma_wait3A_562, %dma_wait3A_563] : memref<10000x128xf32, #tpu.memory_space<hbm>> -> memref<10000x128xf32, #tpu.memory_space<hbm>>
      tpu.wait_indirect_dma semaphore(%arg13 : memref<!tpu.dma_semaphore, #tpu.memory_space<semaphore_mem>>) src(%dma_wait3A_564 : memref<10000x128xf32, #tpu.memory_space<hbm>>) dst(%arg8 : memref<64x128xf32, #tpu.memory_space<vmem>>)
      %dma_start3A_565 = arith.constant 13 : i32
      %dma_start3A_566 = arith.constant 0 : i32
      %dma_start3A_567 = tpu.memref_slice %arg7[%dma_start3A_565, %dma_start3A_566] : memref<20x64xi32, #tpu.memory_space<vmem>> -> memref<1x64xi32, #tpu.memory_space<vmem>>
      %dma_start3A_568 = tpu.memref_squeeze %dma_start3A_567 : memref<1x64xi32, #tpu.memory_space<vmem>> -> memref<64xi32, #tpu.memory_space<vmem>>
      %dma_start3A_569 = arith.constant 0 : i32
      %dma_start3A_570 = arith.constant 0 : i32
      %dma_start3A_571 = tpu.memref_slice %arg12[%dma_start3A_569, %dma_start3A_570] : memref<10240x128xf32, #tpu.memory_space<vmem_shared>> -> memref<10240x128xf32, #tpu.memory_space<vmem_shared>>
      tpu.enqueue_indirect_dma source(%arg8 : memref<64x128xf32, #tpu.memory_space<vmem>>) target(%dma_start3A_571 : memref<10240x128xf32, #tpu.memory_space<vmem_shared>>) offsets(%dma_start3A_568 : memref<64xi32, #tpu.memory_space<vmem>>) semaphore(%arg16 : memref<!tpu.dma_semaphore, #tpu.memory_space<semaphore_mem>>) {add = true}
      %dma_wait3A_572 = arith.constant 12 : i32
      %dma_wait3A_573 = arith.constant 0 : i32
      %dma_wait3A_574 = tpu.memref_slice %arg7[%dma_wait3A_572, %dma_wait3A_573] : memref<20x64xi32, #tpu.memory_space<vmem>> -> memref<1x64xi32, #tpu.memory_space<vmem>>
      %dma_wait3A_575 = tpu.memref_squeeze %dma_wait3A_574 : memref<1x64xi32, #tpu.memory_space<vmem>> -> memref<64xi32, #tpu.memory_space<vmem>>
      %dma_wait3A_576 = arith.constant 0 : i32
      %dma_wait3A_577 = arith.constant 0 : i32
      %dma_wait3A_578 = tpu.memref_slice %arg12[%dma_wait3A_576, %dma_wait3A_577] : memref<10240x128xf32, #tpu.memory_space<vmem_shared>> -> memref<10240x128xf32, #tpu.memory_space<vmem_shared>>
      tpu.wait_indirect_dma semaphore(%arg18 : memref<!tpu.dma_semaphore, #tpu.memory_space<semaphore_mem>>) src(%arg10 : memref<64x128xf32, #tpu.memory_space<vmem>>) dst(%dma_wait3A_578 : memref<10240x128xf32, #tpu.memory_space<vmem_shared>>)
      %dma_start3A_579 = arith.constant 5 : i32
      %dma_start3A_580 = arith.constant 0 : i32
      %dma_start3A_581 = tpu.memref_slice %arg7[%dma_start3A_579, %dma_start3A_580] : memref<20x64xi32, #tpu.memory_space<vmem>> -> memref<1x64xi32, #tpu.memory_space<vmem>>
      %dma_start3A_582 = tpu.memref_squeeze %dma_start3A_581 : memref<1x64xi32, #tpu.memory_space<vmem>> -> memref<64xi32, #tpu.memory_space<vmem>>
      %dma_start3A_583 = arith.constant 0 : i32
      %dma_start3A_584 = arith.constant 0 : i32
      %dma_start3A_585 = tpu.memref_slice %arg2[%dma_start3A_583, %dma_start3A_584] : memref<10000x128xf32, #tpu.memory_space<hbm>> -> memref<10000x128xf32, #tpu.memory_space<hbm>>
      tpu.enqueue_indirect_dma source(%dma_start3A_585 : memref<10000x128xf32, #tpu.memory_space<hbm>>) target(%arg10 : memref<64x128xf32, #tpu.memory_space<vmem>>) offsets(%dma_start3A_582 : memref<64xi32, #tpu.memory_space<vmem>>) semaphore(%arg15 : memref<!tpu.dma_semaphore, #tpu.memory_space<semaphore_mem>>)
      %get3A_586 = arith.constant 13 : i32
      %get3A_587 = arith.index_cast %get3A_586 : i32 to index
      %get3A_588 = arith.constant 0 : index
      %get3A_589 = tpu.vector_load %arg7[%get3A_587, %get3A_588] {strides = array<i32>} : memref<20x64xi32, #tpu.memory_space<vmem>>, vector<16xi32>,
      tpu.vector_store_idx %arg11[%get3A_589], %broadcast_in_dim3A_5 {add = true} : memref<10240xf32, #tpu.memory_space<vmem>>[vector<16xi32>], vector<16xf32>,
      %get3A_590 = arith.constant 13 : i32
      %get3A_591 = arith.index_cast %get3A_590 : i32 to index
      %get3A_592 = arith.constant 16 : index
      %get3A_593 = tpu.vector_load %arg7[%get3A_591, %get3A_592] {strides = array<i32>} : memref<20x64xi32, #tpu.memory_space<vmem>>, vector<16xi32>,
      tpu.vector_store_idx %arg11[%get3A_593], %broadcast_in_dim3A_5 {add = true} : memref<10240xf32, #tpu.memory_space<vmem>>[vector<16xi32>], vector<16xf32>,
      %get3A_594 = arith.constant 13 : i32
      %get3A_595 = arith.index_cast %get3A_594 : i32 to index
      %get3A_596 = arith.constant 32 : index
      %get3A_597 = tpu.vector_load %arg7[%get3A_595, %get3A_596] {strides = array<i32>} : memref<20x64xi32, #tpu.memory_space<vmem>>, vector<16xi32>,
      tpu.vector_store_idx %arg11[%get3A_597], %broadcast_in_dim3A_5 {add = true} : memref<10240xf32, #tpu.memory_space<vmem>>[vector<16xi32>], vector<16xf32>,
      %get3A_598 = arith.constant 13 : i32
      %get3A_599 = arith.index_cast %get3A_598 : i32 to index
      %get3A_600 = arith.constant 48 : index
      %get3A_601 = tpu.vector_load %arg7[%get3A_599, %get3A_600] {strides = array<i32>} : memref<20x64xi32, #tpu.memory_space<vmem>>, vector<16xi32>,
      tpu.vector_store_idx %arg11[%get3A_601], %broadcast_in_dim3A_5 {add = true} : memref<10240xf32, #tpu.memory_space<vmem>>[vector<16xi32>], vector<16xf32>,
      %dma_wait3A_602 = arith.constant 4 : i32
      %dma_wait3A_603 = arith.constant 0 : i32
      %dma_wait3A_604 = tpu.memref_slice %arg7[%dma_wait3A_602, %dma_wait3A_603] : memref<20x64xi32, #tpu.memory_space<vmem>> -> memref<1x64xi32, #tpu.memory_space<vmem>>
      %dma_wait3A_605 = tpu.memref_squeeze %dma_wait3A_604 : memref<1x64xi32, #tpu.memory_space<vmem>> -> memref<64xi32, #tpu.memory_space<vmem>>
      %dma_wait3A_606 = arith.constant 0 : i32
      %dma_wait3A_607 = arith.constant 0 : i32
      %dma_wait3A_608 = tpu.memref_slice %arg2[%dma_wait3A_606, %dma_wait3A_607] : memref<10000x128xf32, #tpu.memory_space<hbm>> -> memref<10000x128xf32, #tpu.memory_space<hbm>>
      tpu.wait_indirect_dma semaphore(%arg14 : memref<!tpu.dma_semaphore, #tpu.memory_space<semaphore_mem>>) src(%dma_wait3A_608 : memref<10000x128xf32, #tpu.memory_space<hbm>>) dst(%arg9 : memref<64x128xf32, #tpu.memory_space<vmem>>)
      %dma_start3A_609 = arith.constant 14 : i32
      %dma_start3A_610 = arith.constant 0 : i32
      %dma_start3A_611 = tpu.memref_slice %arg7[%dma_start3A_609, %dma_start3A_610] : memref<20x64xi32, #tpu.memory_space<vmem>> -> memref<1x64xi32, #tpu.memory_space<vmem>>
      %dma_start3A_612 = tpu.memref_squeeze %dma_start3A_611 : memref<1x64xi32, #tpu.memory_space<vmem>> -> memref<64xi32, #tpu.memory_space<vmem>>
      %dma_start3A_613 = arith.constant 0 : i32
      %dma_start3A_614 = arith.constant 0 : i32
      %dma_start3A_615 = tpu.memref_slice %arg12[%dma_start3A_613, %dma_start3A_614] : memref<10240x128xf32, #tpu.memory_space<vmem_shared>> -> memref<10240x128xf32, #tpu.memory_space<vmem_shared>>
      tpu.enqueue_indirect_dma source(%arg9 : memref<64x128xf32, #tpu.memory_space<vmem>>) target(%dma_start3A_615 : memref<10240x128xf32, #tpu.memory_space<vmem_shared>>) offsets(%dma_start3A_612 : memref<64xi32, #tpu.memory_space<vmem>>) semaphore(%arg17 : memref<!tpu.dma_semaphore, #tpu.memory_space<semaphore_mem>>) {add = true}
      %dma_wait3A_616 = arith.constant 13 : i32
      %dma_wait3A_617 = arith.constant 0 : i32
      %dma_wait3A_618 = tpu.memref_slice %arg7[%dma_wait3A_616, %dma_wait3A_617] : memref<20x64xi32, #tpu.memory_space<vmem>> -> memref<1x64xi32, #tpu.memory_space<vmem>>
      %dma_wait3A_619 = tpu.memref_squeeze %dma_wait3A_618 : memref<1x64xi32, #tpu.memory_space<vmem>> -> memref<64xi32, #tpu.memory_space<vmem>>
      %dma_wait3A_620 = arith.constant 0 : i32
      %dma_wait3A_621 = arith.constant 0 : i32
      %dma_wait3A_622 = tpu.memref_slice %arg12[%dma_wait3A_620, %dma_wait3A_621] : memref<10240x128xf32, #tpu.memory_space<vmem_shared>> -> memref<10240x128xf32, #tpu.memory_space<vmem_shared>>
      tpu.wait_indirect_dma semaphore(%arg16 : memref<!tpu.dma_semaphore, #tpu.memory_space<semaphore_mem>>) src(%arg8 : memref<64x128xf32, #tpu.memory_space<vmem>>) dst(%dma_wait3A_622 : memref<10240x128xf32, #tpu.memory_space<vmem_shared>>)
      %dma_start3A_623 = arith.constant 6 : i32
      %dma_start3A_624 = arith.constant 0 : i32
      %dma_start3A_625 = tpu.memref_slice %arg7[%dma_start3A_623, %dma_start3A_624] : memref<20x64xi32, #tpu.memory_space<vmem>> -> memref<1x64xi32, #tpu.memory_space<vmem>>
      %dma_start3A_626 = tpu.memref_squeeze %dma_start3A_625 : memref<1x64xi32, #tpu.memory_space<vmem>> -> memref<64xi32, #tpu.memory_space<vmem>>
      %dma_start3A_627 = arith.constant 0 : i32
      %dma_start3A_628 = arith.constant 0 : i32
      %dma_start3A_629 = tpu.memref_slice %arg2[%dma_start3A_627, %dma_start3A_628] : memref<10000x128xf32, #tpu.memory_space<hbm>> -> memref<10000x128xf32, #tpu.memory_space<hbm>>
      tpu.enqueue_indirect_dma source(%dma_start3A_629 : memref<10000x128xf32, #tpu.memory_space<hbm>>) target(%arg8 : memref<64x128xf32, #tpu.memory_space<vmem>>) offsets(%dma_start3A_626 : memref<64xi32, #tpu.memory_space<vmem>>) semaphore(%arg13 : memref<!tpu.dma_semaphore, #tpu.memory_space<semaphore_mem>>)
      %get3A_630 = arith.constant 14 : i32
      %get3A_631 = arith.index_cast %get3A_630 : i32 to index
      %get3A_632 = arith.constant 0 : index
      %get3A_633 = tpu.vector_load %arg7[%get3A_631, %get3A_632] {strides = array<i32>} : memref<20x64xi32, #tpu.memory_space<vmem>>, vector<16xi32>,
      tpu.vector_store_idx %arg11[%get3A_633], %broadcast_in_dim3A_5 {add = true} : memref<10240xf32, #tpu.memory_space<vmem>>[vector<16xi32>], vector<16xf32>,
      %get3A_634 = arith.constant 14 : i32
      %get3A_635 = arith.index_cast %get3A_634 : i32 to index
      %get3A_636 = arith.constant 16 : index
      %get3A_637 = tpu.vector_load %arg7[%get3A_635, %get3A_636] {strides = array<i32>} : memref<20x64xi32, #tpu.memory_space<vmem>>, vector<16xi32>,
      tpu.vector_store_idx %arg11[%get3A_637], %broadcast_in_dim3A_5 {add = true} : memref<10240xf32, #tpu.memory_space<vmem>>[vector<16xi32>], vector<16xf32>,
      %get3A_638 = arith.constant 14 : i32
      %get3A_639 = arith.index_cast %get3A_638 : i32 to index
      %get3A_640 = arith.constant 32 : index
      %get3A_641 = tpu.vector_load %arg7[%get3A_639, %get3A_640] {strides = array<i32>} : memref<20x64xi32, #tpu.memory_space<vmem>>, vector<16xi32>,
      tpu.vector_store_idx %arg11[%get3A_641], %broadcast_in_dim3A_5 {add = true} : memref<10240xf32, #tpu.memory_space<vmem>>[vector<16xi32>], vector<16xf32>,
      %get3A_642 = arith.constant 14 : i32
      %get3A_643 = arith.index_cast %get3A_642 : i32 to index
      %get3A_644 = arith.constant 48 : index
      %get3A_645 = tpu.vector_load %arg7[%get3A_643, %get3A_644] {strides = array<i32>} : memref<20x64xi32, #tpu.memory_space<vmem>>, vector<16xi32>,
      tpu.vector_store_idx %arg11[%get3A_645], %broadcast_in_dim3A_5 {add = true} : memref<10240xf32, #tpu.memory_space<vmem>>[vector<16xi32>], vector<16xf32>,
      %dma_wait3A_646 = arith.constant 5 : i32
      %dma_wait3A_647 = arith.constant 0 : i32
      %dma_wait3A_648 = tpu.memref_slice %arg7[%dma_wait3A_646, %dma_wait3A_647] : memref<20x64xi32, #tpu.memory_space<vmem>> -> memref<1x64xi32, #tpu.memory_space<vmem>>
      %dma_wait3A_649 = tpu.memref_squeeze %dma_wait3A_648 : memref<1x64xi32, #tpu.memory_space<vmem>> -> memref<64xi32, #tpu.memory_space<vmem>>
      %dma_wait3A_650 = arith.constant 0 : i32
      %dma_wait3A_651 = arith.constant 0 : i32
      %dma_wait3A_652 = tpu.memref_slice %arg2[%dma_wait3A_650, %dma_wait3A_651] : memref<10000x128xf32, #tpu.memory_space<hbm>> -> memref<10000x128xf32, #tpu.memory_space<hbm>>
      tpu.wait_indirect_dma semaphore(%arg15 : memref<!tpu.dma_semaphore, #tpu.memory_space<semaphore_mem>>) src(%dma_wait3A_652 : memref<10000x128xf32, #tpu.memory_space<hbm>>) dst(%arg10 : memref<64x128xf32, #tpu.memory_space<vmem>>)
      %dma_start3A_653 = arith.constant 15 : i32
      %dma_start3A_654 = arith.constant 0 : i32
      %dma_start3A_655 = tpu.memref_slice %arg7[%dma_start3A_653, %dma_start3A_654] : memref<20x64xi32, #tpu.memory_space<vmem>> -> memref<1x64xi32, #tpu.memory_space<vmem>>
      %dma_start3A_656 = tpu.memref_squeeze %dma_start3A_655 : memref<1x64xi32, #tpu.memory_space<vmem>> -> memref<64xi32, #tpu.memory_space<vmem>>
      %dma_start3A_657 = arith.constant 0 : i32
      %dma_start3A_658 = arith.constant 0 : i32
      %dma_start3A_659 = tpu.memref_slice %arg12[%dma_start3A_657, %dma_start3A_658] : memref<10240x128xf32, #tpu.memory_space<vmem_shared>> -> memref<10240x128xf32, #tpu.memory_space<vmem_shared>>
      tpu.enqueue_indirect_dma source(%arg10 : memref<64x128xf32, #tpu.memory_space<vmem>>) target(%dma_start3A_659 : memref<10240x128xf32, #tpu.memory_space<vmem_shared>>) offsets(%dma_start3A_656 : memref<64xi32, #tpu.memory_space<vmem>>) semaphore(%arg18 : memref<!tpu.dma_semaphore, #tpu.memory_space<semaphore_mem>>) {add = true}
      %dma_wait3A_660 = arith.constant 14 : i32
      %dma_wait3A_661 = arith.constant 0 : i32
      %dma_wait3A_662 = tpu.memref_slice %arg7[%dma_wait3A_660, %dma_wait3A_661] : memref<20x64xi32, #tpu.memory_space<vmem>> -> memref<1x64xi32, #tpu.memory_space<vmem>>
      %dma_wait3A_663 = tpu.memref_squeeze %dma_wait3A_662 : memref<1x64xi32, #tpu.memory_space<vmem>> -> memref<64xi32, #tpu.memory_space<vmem>>
      %dma_wait3A_664 = arith.constant 0 : i32
      %dma_wait3A_665 = arith.constant 0 : i32
      %dma_wait3A_666 = tpu.memref_slice %arg12[%dma_wait3A_664, %dma_wait3A_665] : memref<10240x128xf32, #tpu.memory_space<vmem_shared>> -> memref<10240x128xf32, #tpu.memory_space<vmem_shared>>
      tpu.wait_indirect_dma semaphore(%arg17 : memref<!tpu.dma_semaphore, #tpu.memory_space<semaphore_mem>>) src(%arg9 : memref<64x128xf32, #tpu.memory_space<vmem>>) dst(%dma_wait3A_666 : memref<10240x128xf32, #tpu.memory_space<vmem_shared>>)
      %dma_start3A_667 = arith.constant 7 : i32
      %dma_start3A_668 = arith.constant 0 : i32
      %dma_start3A_669 = tpu.memref_slice %arg7[%dma_start3A_667, %dma_start3A_668] : memref<20x64xi32, #tpu.memory_space<vmem>> -> memref<1x64xi32, #tpu.memory_space<vmem>>
      %dma_start3A_670 = tpu.memref_squeeze %dma_start3A_669 : memref<1x64xi32, #tpu.memory_space<vmem>> -> memref<64xi32, #tpu.memory_space<vmem>>
      %dma_start3A_671 = arith.constant 0 : i32
      %dma_start3A_672 = arith.constant 0 : i32
      %dma_start3A_673 = tpu.memref_slice %arg2[%dma_start3A_671, %dma_start3A_672] : memref<10000x128xf32, #tpu.memory_space<hbm>> -> memref<10000x128xf32, #tpu.memory_space<hbm>>
      tpu.enqueue_indirect_dma source(%dma_start3A_673 : memref<10000x128xf32, #tpu.memory_space<hbm>>) target(%arg9 : memref<64x128xf32, #tpu.memory_space<vmem>>) offsets(%dma_start3A_670 : memref<64xi32, #tpu.memory_space<vmem>>) semaphore(%arg14 : memref<!tpu.dma_semaphore, #tpu.memory_space<semaphore_mem>>)
      %get3A_674 = arith.constant 15 : i32
      %get3A_675 = arith.index_cast %get3A_674 : i32 to index
      %get3A_676 = arith.constant 0 : index
      %get3A_677 = tpu.vector_load %arg7[%get3A_675, %get3A_676] {strides = array<i32>} : memref<20x64xi32, #tpu.memory_space<vmem>>, vector<16xi32>,
      tpu.vector_store_idx %arg11[%get3A_677], %broadcast_in_dim3A_5 {add = true} : memref<10240xf32, #tpu.memory_space<vmem>>[vector<16xi32>], vector<16xf32>,
      %get3A_678 = arith.constant 15 : i32
      %get3A_679 = arith.index_cast %get3A_678 : i32 to index
      %get3A_680 = arith.constant 16 : index
      %get3A_681 = tpu.vector_load %arg7[%get3A_679, %get3A_680] {strides = array<i32>} : memref<20x64xi32, #tpu.memory_space<vmem>>, vector<16xi32>,
      tpu.vector_store_idx %arg11[%get3A_681], %broadcast_in_dim3A_5 {add = true} : memref<10240xf32, #tpu.memory_space<vmem>>[vector<16xi32>], vector<16xf32>,
      %get3A_682 = arith.constant 15 : i32
      %get3A_683 = arith.index_cast %get3A_682 : i32 to index
      %get3A_684 = arith.constant 32 : index
      %get3A_685 = tpu.vector_load %arg7[%get3A_683, %get3A_684] {strides = array<i32>} : memref<20x64xi32, #tpu.memory_space<vmem>>, vector<16xi32>,
      tpu.vector_store_idx %arg11[%get3A_685], %broadcast_in_dim3A_5 {add = true} : memref<10240xf32, #tpu.memory_space<vmem>>[vector<16xi32>], vector<16xf32>,
      %get3A_686 = arith.constant 15 : i32
      %get3A_687 = arith.index_cast %get3A_686 : i32 to index
      %get3A_688 = arith.constant 48 : index
      %get3A_689 = tpu.vector_load %arg7[%get3A_687, %get3A_688] {strides = array<i32>} : memref<20x64xi32, #tpu.memory_space<vmem>>, vector<16xi32>,
      tpu.vector_store_idx %arg11[%get3A_689], %broadcast_in_dim3A_5 {add = true} : memref<10240xf32, #tpu.memory_space<vmem>>[vector<16xi32>], vector<16xf32>,
      %dma_wait3A_690 = arith.constant 6 : i32
      %dma_wait3A_691 = arith.constant 0 : i32
      %dma_wait3A_692 = tpu.memref_slice %arg7[%dma_wait3A_690, %dma_wait3A_691] : memref<20x64xi32, #tpu.memory_space<vmem>> -> memref<1x64xi32, #tpu.memory_space<vmem>>
      %dma_wait3A_693 = tpu.memref_squeeze %dma_wait3A_692 : memref<1x64xi32, #tpu.memory_space<vmem>> -> memref<64xi32, #tpu.memory_space<vmem>>
      %dma_wait3A_694 = arith.constant 0 : i32
      %dma_wait3A_695 = arith.constant 0 : i32
      %dma_wait3A_696 = tpu.memref_slice %arg2[%dma_wait3A_694, %dma_wait3A_695] : memref<10000x128xf32, #tpu.memory_space<hbm>> -> memref<10000x128xf32, #tpu.memory_space<hbm>>
      tpu.wait_indirect_dma semaphore(%arg13 : memref<!tpu.dma_semaphore, #tpu.memory_space<semaphore_mem>>) src(%dma_wait3A_696 : memref<10000x128xf32, #tpu.memory_space<hbm>>) dst(%arg8 : memref<64x128xf32, #tpu.memory_space<vmem>>)
      %dma_start3A_697 = arith.constant 16 : i32
      %dma_start3A_698 = arith.constant 0 : i32
      %dma_start3A_699 = tpu.memref_slice %arg7[%dma_start3A_697, %dma_start3A_698] : memref<20x64xi32, #tpu.memory_space<vmem>> -> memref<1x64xi32, #tpu.memory_space<vmem>>
      %dma_start3A_700 = tpu.memref_squeeze %dma_start3A_699 : memref<1x64xi32, #tpu.memory_space<vmem>> -> memref<64xi32, #tpu.memory_space<vmem>>
      %dma_start3A_701 = arith.constant 0 : i32
      %dma_start3A_702 = arith.constant 0 : i32
      %dma_start3A_703 = tpu.memref_slice %arg12[%dma_start3A_701, %dma_start3A_702] : memref<10240x128xf32, #tpu.memory_space<vmem_shared>> -> memref<10240x128xf32, #tpu.memory_space<vmem_shared>>
      tpu.enqueue_indirect_dma source(%arg8 : memref<64x128xf32, #tpu.memory_space<vmem>>) target(%dma_start3A_703 : memref<10240x128xf32, #tpu.memory_space<vmem_shared>>) offsets(%dma_start3A_700 : memref<64xi32, #tpu.memory_space<vmem>>) semaphore(%arg16 : memref<!tpu.dma_semaphore, #tpu.memory_space<semaphore_mem>>) {add = true}
      %dma_wait3A_704 = arith.constant 15 : i32
      %dma_wait3A_705 = arith.constant 0 : i32
      %dma_wait3A_706 = tpu.memref_slice %arg7[%dma_wait3A_704, %dma_wait3A_705] : memref<20x64xi32, #tpu.memory_space<vmem>> -> memref<1x64xi32, #tpu.memory_space<vmem>>
      %dma_wait3A_707 = tpu.memref_squeeze %dma_wait3A_706 : memref<1x64xi32, #tpu.memory_space<vmem>> -> memref<64xi32, #tpu.memory_space<vmem>>
      %dma_wait3A_708 = arith.constant 0 : i32
      %dma_wait3A_709 = arith.constant 0 : i32
      %dma_wait3A_710 = tpu.memref_slice %arg12[%dma_wait3A_708, %dma_wait3A_709] : memref<10240x128xf32, #tpu.memory_space<vmem_shared>> -> memref<10240x128xf32, #tpu.memory_space<vmem_shared>>
      tpu.wait_indirect_dma semaphore(%arg18 : memref<!tpu.dma_semaphore, #tpu.memory_space<semaphore_mem>>) src(%arg10 : memref<64x128xf32, #tpu.memory_space<vmem>>) dst(%dma_wait3A_710 : memref<10240x128xf32, #tpu.memory_space<vmem_shared>>)
      %dma_start3A_711 = arith.constant 8 : i32
      %dma_start3A_712 = arith.constant 0 : i32
      %dma_start3A_713 = tpu.memref_slice %arg7[%dma_start3A_711, %dma_start3A_712] : memref<20x64xi32, #tpu.memory_space<vmem>> -> memref<1x64xi32, #tpu.memory_space<vmem>>
      %dma_start3A_714 = tpu.memref_squeeze %dma_start3A_713 : memref<1x64xi32, #tpu.memory_space<vmem>> -> memref<64xi32, #tpu.memory_space<vmem>>
      %dma_start3A_715 = arith.constant 0 : i32
      %dma_start3A_716 = arith.constant 0 : i32
      %dma_start3A_717 = tpu.memref_slice %arg2[%dma_start3A_715, %dma_start3A_716] : memref<10000x128xf32, #tpu.memory_space<hbm>> -> memref<10000x128xf32, #tpu.memory_space<hbm>>
      tpu.enqueue_indirect_dma source(%dma_start3A_717 : memref<10000x128xf32, #tpu.memory_space<hbm>>) target(%arg10 : memref<64x128xf32, #tpu.memory_space<vmem>>) offsets(%dma_start3A_714 : memref<64xi32, #tpu.memory_space<vmem>>) semaphore(%arg15 : memref<!tpu.dma_semaphore, #tpu.memory_space<semaphore_mem>>)
      %get3A_718 = arith.constant 16 : i32
      %get3A_719 = arith.index_cast %get3A_718 : i32 to index
      %get3A_720 = arith.constant 0 : index
      %get3A_721 = tpu.vector_load %arg7[%get3A_719, %get3A_720] {strides = array<i32>} : memref<20x64xi32, #tpu.memory_space<vmem>>, vector<16xi32>,
      tpu.vector_store_idx %arg11[%get3A_721], %broadcast_in_dim3A_5 {add = true} : memref<10240xf32, #tpu.memory_space<vmem>>[vector<16xi32>], vector<16xf32>,
      %get3A_722 = arith.constant 16 : i32
      %get3A_723 = arith.index_cast %get3A_722 : i32 to index
      %get3A_724 = arith.constant 16 : index
      %get3A_725 = tpu.vector_load %arg7[%get3A_723, %get3A_724] {strides = array<i32>} : memref<20x64xi32, #tpu.memory_space<vmem>>, vector<16xi32>,
      tpu.vector_store_idx %arg11[%get3A_725], %broadcast_in_dim3A_5 {add = true} : memref<10240xf32, #tpu.memory_space<vmem>>[vector<16xi32>], vector<16xf32>,
      %get3A_726 = arith.constant 16 : i32
      %get3A_727 = arith.index_cast %get3A_726 : i32 to index
      %get3A_728 = arith.constant 32 : index
      %get3A_729 = tpu.vector_load %arg7[%get3A_727, %get3A_728] {strides = array<i32>} : memref<20x64xi32, #tpu.memory_space<vmem>>, vector<16xi32>,
      tpu.vector_store_idx %arg11[%get3A_729], %broadcast_in_dim3A_5 {add = true} : memref<10240xf32, #tpu.memory_space<vmem>>[vector<16xi32>], vector<16xf32>,
      %get3A_730 = arith.constant 16 : i32
      %get3A_731 = arith.index_cast %get3A_730 : i32 to index
      %get3A_732 = arith.constant 48 : index
      %get3A_733 = tpu.vector_load %arg7[%get3A_731, %get3A_732] {strides = array<i32>} : memref<20x64xi32, #tpu.memory_space<vmem>>, vector<16xi32>,
      tpu.vector_store_idx %arg11[%get3A_733], %broadcast_in_dim3A_5 {add = true} : memref<10240xf32, #tpu.memory_space<vmem>>[vector<16xi32>], vector<16xf32>,
      %dma_wait3A_734 = arith.constant 7 : i32
      %dma_wait3A_735 = arith.constant 0 : i32
      %dma_wait3A_736 = tpu.memref_slice %arg7[%dma_wait3A_734, %dma_wait3A_735] : memref<20x64xi32, #tpu.memory_space<vmem>> -> memref<1x64xi32, #tpu.memory_space<vmem>>
      %dma_wait3A_737 = tpu.memref_squeeze %dma_wait3A_736 : memref<1x64xi32, #tpu.memory_space<vmem>> -> memref<64xi32, #tpu.memory_space<vmem>>
      %dma_wait3A_738 = arith.constant 0 : i32
      %dma_wait3A_739 = arith.constant 0 : i32
      %dma_wait3A_740 = tpu.memref_slice %arg2[%dma_wait3A_738, %dma_wait3A_739] : memref<10000x128xf32, #tpu.memory_space<hbm>> -> memref<10000x128xf32, #tpu.memory_space<hbm>>
      tpu.wait_indirect_dma semaphore(%arg14 : memref<!tpu.dma_semaphore, #tpu.memory_space<semaphore_mem>>) src(%dma_wait3A_740 : memref<10000x128xf32, #tpu.memory_space<hbm>>) dst(%arg9 : memref<64x128xf32, #tpu.memory_space<vmem>>)
      %dma_start3A_741 = arith.constant 17 : i32
      %dma_start3A_742 = arith.constant 0 : i32
      %dma_start3A_743 = tpu.memref_slice %arg7[%dma_start3A_741, %dma_start3A_742] : memref<20x64xi32, #tpu.memory_space<vmem>> -> memref<1x64xi32, #tpu.memory_space<vmem>>
      %dma_start3A_744 = tpu.memref_squeeze %dma_start3A_743 : memref<1x64xi32, #tpu.memory_space<vmem>> -> memref<64xi32, #tpu.memory_space<vmem>>
      %dma_start3A_745 = arith.constant 0 : i32
      %dma_start3A_746 = arith.constant 0 : i32
      %dma_start3A_747 = tpu.memref_slice %arg12[%dma_start3A_745, %dma_start3A_746] : memref<10240x128xf32, #tpu.memory_space<vmem_shared>> -> memref<10240x128xf32, #tpu.memory_space<vmem_shared>>
      tpu.enqueue_indirect_dma source(%arg9 : memref<64x128xf32, #tpu.memory_space<vmem>>) target(%dma_start3A_747 : memref<10240x128xf32, #tpu.memory_space<vmem_shared>>) offsets(%dma_start3A_744 : memref<64xi32, #tpu.memory_space<vmem>>) semaphore(%arg17 : memref<!tpu.dma_semaphore, #tpu.memory_space<semaphore_mem>>) {add = true}
      %dma_wait3A_748 = arith.constant 16 : i32
      %dma_wait3A_749 = arith.constant 0 : i32
      %dma_wait3A_750 = tpu.memref_slice %arg7[%dma_wait3A_748, %dma_wait3A_749] : memref<20x64xi32, #tpu.memory_space<vmem>> -> memref<1x64xi32, #tpu.memory_space<vmem>>
      %dma_wait3A_751 = tpu.memref_squeeze %dma_wait3A_750 : memref<1x64xi32, #tpu.memory_space<vmem>> -> memref<64xi32, #tpu.memory_space<vmem>>
      %dma_wait3A_752 = arith.constant 0 : i32
      %dma_wait3A_753 = arith.constant 0 : i32
      %dma_wait3A_754 = tpu.memref_slice %arg12[%dma_wait3A_752, %dma_wait3A_753] : memref<10240x128xf32, #tpu.memory_space<vmem_shared>> -> memref<10240x128xf32, #tpu.memory_space<vmem_shared>>
      tpu.wait_indirect_dma semaphore(%arg16 : memref<!tpu.dma_semaphore, #tpu.memory_space<semaphore_mem>>) src(%arg8 : memref<64x128xf32, #tpu.memory_space<vmem>>) dst(%dma_wait3A_754 : memref<10240x128xf32, #tpu.memory_space<vmem_shared>>)
      %dma_start3A_755 = arith.constant 9 : i32
      %dma_start3A_756 = arith.constant 0 : i32
      %dma_start3A_757 = tpu.memref_slice %arg7[%dma_start3A_755, %dma_start3A_756] : memref<20x64xi32, #tpu.memory_space<vmem>> -> memref<1x64xi32, #tpu.memory_space<vmem>>
      %dma_start3A_758 = tpu.memref_squeeze %dma_start3A_757 : memref<1x64xi32, #tpu.memory_space<vmem>> -> memref<64xi32, #tpu.memory_space<vmem>>
      %dma_start3A_759 = arith.constant 0 : i32
      %dma_start3A_760 = arith.constant 0 : i32
      %dma_start3A_761 = tpu.memref_slice %arg2[%dma_start3A_759, %dma_start3A_760] : memref<10000x128xf32, #tpu.memory_space<hbm>> -> memref<10000x128xf32, #tpu.memory_space<hbm>>
      tpu.enqueue_indirect_dma source(%dma_start3A_761 : memref<10000x128xf32, #tpu.memory_space<hbm>>) target(%arg8 : memref<64x128xf32, #tpu.memory_space<vmem>>) offsets(%dma_start3A_758 : memref<64xi32, #tpu.memory_space<vmem>>) semaphore(%arg13 : memref<!tpu.dma_semaphore, #tpu.memory_space<semaphore_mem>>)
      %get3A_762 = arith.constant 17 : i32
      %get3A_763 = arith.index_cast %get3A_762 : i32 to index
      %get3A_764 = arith.constant 0 : index
      %get3A_765 = tpu.vector_load %arg7[%get3A_763, %get3A_764] {strides = array<i32>} : memref<20x64xi32, #tpu.memory_space<vmem>>, vector<16xi32>,
      tpu.vector_store_idx %arg11[%get3A_765], %broadcast_in_dim3A_5 {add = true} : memref<10240xf32, #tpu.memory_space<vmem>>[vector<16xi32>], vector<16xf32>,
      %get3A_766 = arith.constant 17 : i32
      %get3A_767 = arith.index_cast %get3A_766 : i32 to index
      %get3A_768 = arith.constant 16 : index
      %get3A_769 = tpu.vector_load %arg7[%get3A_767, %get3A_768] {strides = array<i32>} : memref<20x64xi32, #tpu.memory_space<vmem>>, vector<16xi32>,
      tpu.vector_store_idx %arg11[%get3A_769], %broadcast_in_dim3A_5 {add = true} : memref<10240xf32, #tpu.memory_space<vmem>>[vector<16xi32>], vector<16xf32>,
      %get3A_770 = arith.constant 17 : i32
      %get3A_771 = arith.index_cast %get3A_770 : i32 to index
      %get3A_772 = arith.constant 32 : index
      %get3A_773 = tpu.vector_load %arg7[%get3A_771, %get3A_772] {strides = array<i32>} : memref<20x64xi32, #tpu.memory_space<vmem>>, vector<16xi32>,
      tpu.vector_store_idx %arg11[%get3A_773], %broadcast_in_dim3A_5 {add = true} : memref<10240xf32, #tpu.memory_space<vmem>>[vector<16xi32>], vector<16xf32>,
      %get3A_774 = arith.constant 17 : i32
      %get3A_775 = arith.index_cast %get3A_774 : i32 to index
      %get3A_776 = arith.constant 48 : index
      %get3A_777 = tpu.vector_load %arg7[%get3A_775, %get3A_776] {strides = array<i32>} : memref<20x64xi32, #tpu.memory_space<vmem>>, vector<16xi32>,
      tpu.vector_store_idx %arg11[%get3A_777], %broadcast_in_dim3A_5 {add = true} : memref<10240xf32, #tpu.memory_space<vmem>>[vector<16xi32>], vector<16xf32>,
      %dma_wait3A_778 = arith.constant 8 : i32
      %dma_wait3A_779 = arith.constant 0 : i32
      %dma_wait3A_780 = tpu.memref_slice %arg7[%dma_wait3A_778, %dma_wait3A_779] : memref<20x64xi32, #tpu.memory_space<vmem>> -> memref<1x64xi32, #tpu.memory_space<vmem>>
      %dma_wait3A_781 = tpu.memref_squeeze %dma_wait3A_780 : memref<1x64xi32, #tpu.memory_space<vmem>> -> memref<64xi32, #tpu.memory_space<vmem>>
      %dma_wait3A_782 = arith.constant 0 : i32
      %dma_wait3A_783 = arith.constant 0 : i32
      %dma_wait3A_784 = tpu.memref_slice %arg2[%dma_wait3A_782, %dma_wait3A_783] : memref<10000x128xf32, #tpu.memory_space<hbm>> -> memref<10000x128xf32, #tpu.memory_space<hbm>>
      tpu.wait_indirect_dma semaphore(%arg15 : memref<!tpu.dma_semaphore, #tpu.memory_space<semaphore_mem>>) src(%dma_wait3A_784 : memref<10000x128xf32, #tpu.memory_space<hbm>>) dst(%arg10 : memref<64x128xf32, #tpu.memory_space<vmem>>)
      %dma_start3A_785 = arith.constant 18 : i32
      %dma_start3A_786 = arith.constant 0 : i32
      %dma_start3A_787 = tpu.memref_slice %arg7[%dma_start3A_785, %dma_start3A_786] : memref<20x64xi32, #tpu.memory_space<vmem>> -> memref<1x64xi32, #tpu.memory_space<vmem>>
      %dma_start3A_788 = tpu.memref_squeeze %dma_start3A_787 : memref<1x64xi32, #tpu.memory_space<vmem>> -> memref<64xi32, #tpu.memory_space<vmem>>
      %dma_start3A_789 = arith.constant 0 : i32
      %dma_start3A_790 = arith.constant 0 : i32
      %dma_start3A_791 = tpu.memref_slice %arg12[%dma_start3A_789, %dma_start3A_790] : memref<10240x128xf32, #tpu.memory_space<vmem_shared>> -> memref<10240x128xf32, #tpu.memory_space<vmem_shared>>
      tpu.enqueue_indirect_dma source(%arg10 : memref<64x128xf32, #tpu.memory_space<vmem>>) target(%dma_start3A_791 : memref<10240x128xf32, #tpu.memory_space<vmem_shared>>) offsets(%dma_start3A_788 : memref<64xi32, #tpu.memory_space<vmem>>) semaphore(%arg18 : memref<!tpu.dma_semaphore, #tpu.memory_space<semaphore_mem>>) {add = true}
      %get3A_792 = arith.constant 18 : i32
      %get3A_793 = arith.index_cast %get3A_792 : i32 to index
      %get3A_794 = arith.constant 0 : index
      %get3A_795 = tpu.vector_load %arg7[%get3A_793, %get3A_794] {strides = array<i32>} : memref<20x64xi32, #tpu.memory_space<vmem>>, vector<16xi32>,
      tpu.vector_store_idx %arg11[%get3A_795], %broadcast_in_dim3A_5 {add = true} : memref<10240xf32, #tpu.memory_space<vmem>>[vector<16xi32>], vector<16xf32>,
      %get3A_796 = arith.constant 18 : i32
      %get3A_797 = arith.index_cast %get3A_796 : i32 to index
      %get3A_798 = arith.constant 16 : index
      %get3A_799 = tpu.vector_load %arg7[%get3A_797, %get3A_798] {strides = array<i32>} : memref<20x64xi32, #tpu.memory_space<vmem>>, vector<16xi32>,
      tpu.vector_store_idx %arg11[%get3A_799], %broadcast_in_dim3A_5 {add = true} : memref<10240xf32, #tpu.memory_space<vmem>>[vector<16xi32>], vector<16xf32>,
      %get3A_800 = arith.constant 18 : i32
      %get3A_801 = arith.index_cast %get3A_800 : i32 to index
      %get3A_802 = arith.constant 32 : index
      %get3A_803 = tpu.vector_load %arg7[%get3A_801, %get3A_802] {strides = array<i32>} : memref<20x64xi32, #tpu.memory_space<vmem>>, vector<16xi32>,
      tpu.vector_store_idx %arg11[%get3A_803], %broadcast_in_dim3A_5 {add = true} : memref<10240xf32, #tpu.memory_space<vmem>>[vector<16xi32>], vector<16xf32>,
      %get3A_804 = arith.constant 18 : i32
      %get3A_805 = arith.index_cast %get3A_804 : i32 to index
      %get3A_806 = arith.constant 48 : index
      %get3A_807 = tpu.vector_load %arg7[%get3A_805, %get3A_806] {strides = array<i32>} : memref<20x64xi32, #tpu.memory_space<vmem>>, vector<16xi32>,
      tpu.vector_store_idx %arg11[%get3A_807], %broadcast_in_dim3A_5 {add = true} : memref<10240xf32, #tpu.memory_space<vmem>>[vector<16xi32>], vector<16xf32>,
      %dma_wait3A_808 = arith.constant 9 : i32
      %dma_wait3A_809 = arith.constant 0 : i32
      %dma_wait3A_810 = tpu.memref_slice %arg7[%dma_wait3A_808, %dma_wait3A_809] : memref<20x64xi32, #tpu.memory_space<vmem>> -> memref<1x64xi32, #tpu.memory_space<vmem>>
      %dma_wait3A_811 = tpu.memref_squeeze %dma_wait3A_810 : memref<1x64xi32, #tpu.memory_space<vmem>> -> memref<64xi32, #tpu.memory_space<vmem>>
      %dma_wait3A_812 = arith.constant 0 : i32
      %dma_wait3A_813 = arith.constant 0 : i32
      %dma_wait3A_814 = tpu.memref_slice %arg2[%dma_wait3A_812, %dma_wait3A_813] : memref<10000x128xf32, #tpu.memory_space<hbm>> -> memref<10000x128xf32, #tpu.memory_space<hbm>>
      tpu.wait_indirect_dma semaphore(%arg13 : memref<!tpu.dma_semaphore, #tpu.memory_space<semaphore_mem>>) src(%dma_wait3A_814 : memref<10000x128xf32, #tpu.memory_space<hbm>>) dst(%arg8 : memref<64x128xf32, #tpu.memory_space<vmem>>)
      %dma_start3A_815 = arith.constant 19 : i32
      %dma_start3A_816 = arith.constant 0 : i32
      %dma_start3A_817 = tpu.memref_slice %arg7[%dma_start3A_815, %dma_start3A_816] : memref<20x64xi32, #tpu.memory_space<vmem>> -> memref<1x64xi32, #tpu.memory_space<vmem>>
      %dma_start3A_818 = tpu.memref_squeeze %dma_start3A_817 : memref<1x64xi32, #tpu.memory_space<vmem>> -> memref<64xi32, #tpu.memory_space<vmem>>
      %dma_start3A_819 = arith.constant 0 : i32
      %dma_start3A_820 = arith.constant 0 : i32
      %dma_start3A_821 = tpu.memref_slice %arg12[%dma_start3A_819, %dma_start3A_820] : memref<10240x128xf32, #tpu.memory_space<vmem_shared>> -> memref<10240x128xf32, #tpu.memory_space<vmem_shared>>
      tpu.enqueue_indirect_dma source(%arg8 : memref<64x128xf32, #tpu.memory_space<vmem>>) target(%dma_start3A_821 : memref<10240x128xf32, #tpu.memory_space<vmem_shared>>) offsets(%dma_start3A_818 : memref<64xi32, #tpu.memory_space<vmem>>) semaphore(%arg16 : memref<!tpu.dma_semaphore, #tpu.memory_space<semaphore_mem>>) {add = true}
      %get3A_822 = arith.constant 19 : i32
      %get3A_823 = arith.index_cast %get3A_822 : i32 to index
      %get3A_824 = arith.constant 0 : index
      %get3A_825 = tpu.vector_load %arg7[%get3A_823, %get3A_824] {strides = array<i32>} : memref<20x64xi32, #tpu.memory_space<vmem>>, vector<16xi32>,
      tpu.vector_store_idx %arg11[%get3A_825], %broadcast_in_dim3A_5 {add = true} : memref<10240xf32, #tpu.memory_space<vmem>>[vector<16xi32>], vector<16xf32>,
      %get3A_826 = arith.constant 19 : i32
      %get3A_827 = arith.index_cast %get3A_826 : i32 to index
      %get3A_828 = arith.constant 16 : index
      %get3A_829 = tpu.vector_load %arg7[%get3A_827, %get3A_828] {strides = array<i32>} : memref<20x64xi32, #tpu.memory_space<vmem>>, vector<16xi32>,
      tpu.vector_store_idx %arg11[%get3A_829], %broadcast_in_dim3A_5 {add = true} : memref<10240xf32, #tpu.memory_space<vmem>>[vector<16xi32>], vector<16xf32>,
      %get3A_830 = arith.constant 19 : i32
      %get3A_831 = arith.index_cast %get3A_830 : i32 to index
      %get3A_832 = arith.constant 32 : index
      %get3A_833 = tpu.vector_load %arg7[%get3A_831, %get3A_832] {strides = array<i32>} : memref<20x64xi32, #tpu.memory_space<vmem>>, vector<16xi32>,
      tpu.vector_store_idx %arg11[%get3A_833], %broadcast_in_dim3A_5 {add = true} : memref<10240xf32, #tpu.memory_space<vmem>>[vector<16xi32>], vector<16xf32>,
      %get3A_834 = arith.constant 19 : i32
      %get3A_835 = arith.index_cast %get3A_834 : i32 to index
      %get3A_836 = arith.constant 48 : index
      %get3A_837 = tpu.vector_load %arg7[%get3A_835, %get3A_836] {strides = array<i32>} : memref<20x64xi32, #tpu.memory_space<vmem>>, vector<16xi32>,
      tpu.vector_store_idx %arg11[%get3A_837], %broadcast_in_dim3A_5 {add = true} : memref<10240xf32, #tpu.memory_space<vmem>>[vector<16xi32>], vector<16xf32>,
      %dma_wait3A_838 = arith.constant 17 : i32
      %dma_wait3A_839 = arith.constant 0 : i32
      %dma_wait3A_840 = tpu.memref_slice %arg7[%dma_wait3A_838, %dma_wait3A_839] : memref<20x64xi32, #tpu.memory_space<vmem>> -> memref<1x64xi32, #tpu.memory_space<vmem>>
      %dma_wait3A_841 = tpu.memref_squeeze %dma_wait3A_840 : memref<1x64xi32, #tpu.memory_space<vmem>> -> memref<64xi32, #tpu.memory_space<vmem>>
      %dma_wait3A_842 = arith.constant 0 : i32
      %dma_wait3A_843 = arith.constant 0 : i32
      %dma_wait3A_844 = tpu.memref_slice %arg12[%dma_wait3A_842, %dma_wait3A_843] : memref<10240x128xf32, #tpu.memory_space<vmem_shared>> -> memref<10240x128xf32, #tpu.memory_space<vmem_shared>>
      tpu.wait_indirect_dma semaphore(%arg17 : memref<!tpu.dma_semaphore, #tpu.memory_space<semaphore_mem>>) src(%arg9 : memref<64x128xf32, #tpu.memory_space<vmem>>) dst(%dma_wait3A_844 : memref<10240x128xf32, #tpu.memory_space<vmem_shared>>)
      %dma_wait3A_845 = arith.constant 18 : i32
      %dma_wait3A_846 = arith.constant 0 : i32
      %dma_wait3A_847 = tpu.memref_slice %arg7[%dma_wait3A_845, %dma_wait3A_846] : memref<20x64xi32, #tpu.memory_space<vmem>> -> memref<1x64xi32, #tpu.memory_space<vmem>>
      %dma_wait3A_848 = tpu.memref_squeeze %dma_wait3A_847 : memref<1x64xi32, #tpu.memory_space<vmem>> -> memref<64xi32, #tpu.memory_space<vmem>>
      %dma_wait3A_849 = arith.constant 0 : i32
      %dma_wait3A_850 = arith.constant 0 : i32
      %dma_wait3A_851 = tpu.memref_slice %arg12[%dma_wait3A_849, %dma_wait3A_850] : memref<10240x128xf32, #tpu.memory_space<vmem_shared>> -> memref<10240x128xf32, #tpu.memory_space<vmem_shared>>
      tpu.wait_indirect_dma semaphore(%arg18 : memref<!tpu.dma_semaphore, #tpu.memory_space<semaphore_mem>>) src(%arg10 : memref<64x128xf32, #tpu.memory_space<vmem>>) dst(%dma_wait3A_851 : memref<10240x128xf32, #tpu.memory_space<vmem_shared>>)
      %dma_wait3A_852 = arith.constant 19 : i32
      %dma_wait3A_853 = arith.constant 0 : i32
      %dma_wait3A_854 = tpu.memref_slice %arg7[%dma_wait3A_852, %dma_wait3A_853] : memref<20x64xi32, #tpu.memory_space<vmem>> -> memref<1x64xi32, #tpu.memory_space<vmem>>
      %dma_wait3A_855 = tpu.memref_squeeze %dma_wait3A_854 : memref<1x64xi32, #tpu.memory_space<vmem>> -> memref<64xi32, #tpu.memory_space<vmem>>
      %dma_wait3A_856 = arith.constant 0 : i32
      %dma_wait3A_857 = arith.constant 0 : i32
      %dma_wait3A_858 = tpu.memref_slice %arg12[%dma_wait3A_856, %dma_wait3A_857] : memref<10240x128xf32, #tpu.memory_space<vmem_shared>> -> memref<10240x128xf32, #tpu.memory_space<vmem_shared>>
      tpu.wait_indirect_dma semaphore(%arg16 : memref<!tpu.dma_semaphore, #tpu.memory_space<semaphore_mem>>) src(%arg8 : memref<64x128xf32, #tpu.memory_space<vmem>>) dst(%dma_wait3A_858 : memref<10240x128xf32, #tpu.memory_space<vmem_shared>>)
    }
    %scan3A_134 = arith.constant 16 : i32
    %barrier3A_135 = arith.constant 0 : index
    tpu.barrier barrier_id(%barrier3A_135)
    %mul3A_136 = arith.constant 10240 : i32
    %mul3A_137 = arith.muli %add3A, %mul3A_136 : i32
    %dma_start3A_138 = tpu.memref_slice %arg6[%mul3A_137] : memref<327680xf32, #tpu.memory_space<hbm>> -> memref<10240xf32, #tpu.memory_space<hbm>>
    %dma_start3A_139 = tpu.memref_slice %arg6[%mul3A_137] : memref<327680xf32, #tpu.memory_space<hbm>> -> memref<10240xf32, #tpu.memory_space<hbm>>
    tpu.enqueue_dma source(%arg11 : memref<10240xf32, #tpu.memory_space<vmem>>) target(%dma_start3A_139 : memref<10240xf32, #tpu.memory_space<hbm>>) target_semaphore(%arg15 : memref<!tpu.dma_semaphore, #tpu.memory_space<semaphore_mem>>)
    %mul3A_140 = arith.constant 640 : i32
    %mul3A_141 = arith.muli %arg1, %mul3A_140 : i32
    %dma_start3A_142 = arith.constant 0 : i32
    %dma_start3A_143 = tpu.memref_slice %arg12[%mul3A_141, %dma_start3A_142] : memref<10240x128xf32, #tpu.memory_space<vmem_shared>> -> memref<64x128xf32, #tpu.memory_space<vmem_shared>>
    %dma_start3A_144 = arith.constant 0 : i32
    %dma_start3A_145 = tpu.memref_slice %arg12[%mul3A_141, %dma_start3A_144] : memref<10240x128xf32, #tpu.memory_space<vmem_shared>> -> memref<64x128xf32, #tpu.memory_space<vmem_shared>>
    tpu.enqueue_dma source(%dma_start3A_145 : memref<64x128xf32, #tpu.memory_space<vmem_shared>>) target(%arg8 : memref<64x128xf32, #tpu.memory_space<vmem>>) target_semaphore(%arg13 : memref<!tpu.dma_semaphore, #tpu.memory_space<semaphore_mem>>)
    %mul3A_146 = arith.constant 640 : i32
    %mul3A_147 = arith.muli %arg1, %mul3A_146 : i32
    %add3A_148 = arith.constant 0 : i32
    %add3A_149 = arith.addi %mul3A_147, %add3A_148 : i32
    %mul3A_150 = arith.constant 10240 : i32
    %mul3A_151 = arith.muli %arg0, %mul3A_150 : i32
    %add3A_152 = arith.addi %mul3A_151, %add3A_149 : i32
    %multiple_of3A = tpu.assume_multiple %add3A_152, 64 : i32
    %dma_wait3A_153 = arith.constant 0 : i32
    %dma_wait3A_154 = tpu.memref_slice %arg12[%mul3A_141, %dma_wait3A_153] : memref<10240x128xf32, #tpu.memory_space<vmem_shared>> -> memref<64x128xf32, #tpu.memory_space<vmem_shared>>
    %dma_wait3A_155 = arith.constant 0 : i32
    %dma_wait3A_156 = tpu.memref_slice %arg12[%mul3A_141, %dma_wait3A_155] : memref<10240x128xf32, #tpu.memory_space<vmem_shared>> -> memref<64x128xf32, #tpu.memory_space<vmem_shared>>
    tpu.wait_dma2 semaphore(%arg13 : memref<!tpu.dma_semaphore, #tpu.memory_space<semaphore_mem>>) src(%dma_wait3A_156 : memref<64x128xf32, #tpu.memory_space<vmem_shared>>) dst(%arg8 : memref<64x128xf32, #tpu.memory_space<vmem>>)
    %dma_start3A_157 = arith.constant 0 : i32
    %dma_start3A_158 = tpu.memref_slice %arg5[%multiple_of3A, %dma_start3A_157] : memref<20480x128xf32, #tpu.memory_space<hbm>> -> memref<64x128xf32, #tpu.memory_space<hbm>>
    %dma_start3A_159 = arith.constant 0 : i32
    %dma_start3A_160 = tpu.memref_slice %arg5[%multiple_of3A, %dma_start3A_159] : memref<20480x128xf32, #tpu.memory_space<hbm>> -> memref<64x128xf32, #tpu.memory_space<hbm>>
    tpu.enqueue_dma source(%arg8 : memref<64x128xf32, #tpu.memory_space<vmem>>) target(%dma_start3A_160 : memref<64x128xf32, #tpu.memory_space<hbm>>) target_semaphore(%arg16 : memref<!tpu.dma_semaphore, #tpu.memory_space<semaphore_mem>>)
    %mul3A_161 = arith.constant 640 : i32
    %mul3A_162 = arith.muli %arg1, %mul3A_161 : i32
    %add3A_163 = arith.constant 64 : i32
    %add3A_164 = arith.addi %mul3A_162, %add3A_163 : i32
    %dma_start3A_165 = arith.constant 0 : i32
    %dma_start3A_166 = tpu.memref_slice %arg12[%add3A_164, %dma_start3A_165] : memref<10240x128xf32, #tpu.memory_space<vmem_shared>> -> memref<64x128xf32, #tpu.memory_space<vmem_shared>>
    %dma_start3A_167 = arith.constant 0 : i32
    %dma_start3A_168 = tpu.memref_slice %arg12[%add3A_164, %dma_start3A_167] : memref<10240x128xf32, #tpu.memory_space<vmem_shared>> -> memref<64x128xf32, #tpu.memory_space<vmem_shared>>
    tpu.enqueue_dma source(%dma_start3A_168 : memref<64x128xf32, #tpu.memory_space<vmem_shared>>) target(%arg9 : memref<64x128xf32, #tpu.memory_space<vmem>>) target_semaphore(%arg14 : memref<!tpu.dma_semaphore, #tpu.memory_space<semaphore_mem>>)
    %mul3A_169 = arith.constant 640 : i32
    %mul3A_170 = arith.muli %arg1, %mul3A_169 : i32
    %add3A_171 = arith.constant 64 : i32
    %add3A_172 = arith.addi %mul3A_170, %add3A_171 : i32
    %mul3A_173 = arith.constant 10240 : i32
    %mul3A_174 = arith.muli %arg0, %mul3A_173 : i32
    %add3A_175 = arith.addi %mul3A_174, %add3A_172 : i32
    %multiple_of3A_176 = tpu.assume_multiple %add3A_175, 64 : i32
    %dma_wait3A_177 = arith.constant 0 : i32
    %dma_wait3A_178 = tpu.memref_slice %arg12[%add3A_164, %dma_wait3A_177] : memref<10240x128xf32, #tpu.memory_space<vmem_shared>> -> memref<64x128xf32, #tpu.memory_space<vmem_shared>>
    %dma_wait3A_179 = arith.constant 0 : i32
    %dma_wait3A_180 = tpu.memref_slice %arg12[%add3A_164, %dma_wait3A_179] : memref<10240x128xf32, #tpu.memory_space<vmem_shared>> -> memref<64x128xf32, #tpu.memory_space<vmem_shared>>
    tpu.wait_dma2 semaphore(%arg14 : memref<!tpu.dma_semaphore, #tpu.memory_space<semaphore_mem>>) src(%dma_wait3A_180 : memref<64x128xf32, #tpu.memory_space<vmem_shared>>) dst(%arg9 : memref<64x128xf32, #tpu.memory_space<vmem>>)
    %dma_start3A_181 = arith.constant 0 : i32
    %dma_start3A_182 = tpu.memref_slice %arg5[%multiple_of3A_176, %dma_start3A_181] : memref<20480x128xf32, #tpu.memory_space<hbm>> -> memref<64x128xf32, #tpu.memory_space<hbm>>
    %dma_start3A_183 = arith.constant 0 : i32
    %dma_start3A_184 = tpu.memref_slice %arg5[%multiple_of3A_176, %dma_start3A_183] : memref<20480x128xf32, #tpu.memory_space<hbm>> -> memref<64x128xf32, #tpu.memory_space<hbm>>
    tpu.enqueue_dma source(%arg9 : memref<64x128xf32, #tpu.memory_space<vmem>>) target(%dma_start3A_184 : memref<64x128xf32, #tpu.memory_space<hbm>>) target_semaphore(%arg17 : memref<!tpu.dma_semaphore, #tpu.memory_space<semaphore_mem>>)
    %dma_wait3A_185 = arith.constant 0 : i32
    %dma_wait3A_186 = tpu.memref_slice %arg5[%multiple_of3A, %dma_wait3A_185] : memref<20480x128xf32, #tpu.memory_space<hbm>> -> memref<64x128xf32, #tpu.memory_space<hbm>>
    %dma_wait3A_187 = arith.constant 0 : i32
    %dma_wait3A_188 = tpu.memref_slice %arg5[%multiple_of3A, %dma_wait3A_187] : memref<20480x128xf32, #tpu.memory_space<hbm>> -> memref<64x128xf32, #tpu.memory_space<hbm>>
    tpu.wait_dma2 semaphore(%arg16 : memref<!tpu.dma_semaphore, #tpu.memory_space<semaphore_mem>>) src(%arg8 : memref<64x128xf32, #tpu.memory_space<vmem>>) dst(%dma_wait3A_188 : memref<64x128xf32, #tpu.memory_space<hbm>>)
    %mul3A_189 = arith.constant 640 : i32
    %mul3A_190 = arith.muli %arg1, %mul3A_189 : i32
    %add3A_191 = arith.constant 128 : i32
    %add3A_192 = arith.addi %mul3A_190, %add3A_191 : i32
    %dma_start3A_193 = arith.constant 0 : i32
    %dma_start3A_194 = tpu.memref_slice %arg12[%add3A_192, %dma_start3A_193] : memref<10240x128xf32, #tpu.memory_space<vmem_shared>> -> memref<64x128xf32, #tpu.memory_space<vmem_shared>>
    %dma_start3A_195 = arith.constant 0 : i32
    %dma_start3A_196 = tpu.memref_slice %arg12[%add3A_192, %dma_start3A_195] : memref<10240x128xf32, #tpu.memory_space<vmem_shared>> -> memref<64x128xf32, #tpu.memory_space<vmem_shared>>
    tpu.enqueue_dma source(%dma_start3A_196 : memref<64x128xf32, #tpu.memory_space<vmem_shared>>) target(%arg8 : memref<64x128xf32, #tpu.memory_space<vmem>>) target_semaphore(%arg13 : memref<!tpu.dma_semaphore, #tpu.memory_space<semaphore_mem>>)
    %mul3A_197 = arith.constant 640 : i32
    %mul3A_198 = arith.muli %arg1, %mul3A_197 : i32
    %add3A_199 = arith.constant 128 : i32
    %add3A_200 = arith.addi %mul3A_198, %add3A_199 : i32
    %mul3A_201 = arith.constant 10240 : i32
    %mul3A_202 = arith.muli %arg0, %mul3A_201 : i32
    %add3A_203 = arith.addi %mul3A_202, %add3A_200 : i32
    %multiple_of3A_204 = tpu.assume_multiple %add3A_203, 64 : i32
    %dma_wait3A_205 = arith.constant 0 : i32
    %dma_wait3A_206 = tpu.memref_slice %arg12[%add3A_192, %dma_wait3A_205] : memref<10240x128xf32, #tpu.memory_space<vmem_shared>> -> memref<64x128xf32, #tpu.memory_space<vmem_shared>>
    %dma_wait3A_207 = arith.constant 0 : i32
    %dma_wait3A_208 = tpu.memref_slice %arg12[%add3A_192, %dma_wait3A_207] : memref<10240x128xf32, #tpu.memory_space<vmem_shared>> -> memref<64x128xf32, #tpu.memory_space<vmem_shared>>
    tpu.wait_dma2 semaphore(%arg13 : memref<!tpu.dma_semaphore, #tpu.memory_space<semaphore_mem>>) src(%dma_wait3A_208 : memref<64x128xf32, #tpu.memory_space<vmem_shared>>) dst(%arg8 : memref<64x128xf32, #tpu.memory_space<vmem>>)
    %dma_start3A_209 = arith.constant 0 : i32
    %dma_start3A_210 = tpu.memref_slice %arg5[%multiple_of3A_204, %dma_start3A_209] : memref<20480x128xf32, #tpu.memory_space<hbm>> -> memref<64x128xf32, #tpu.memory_space<hbm>>
    %dma_start3A_211 = arith.constant 0 : i32
    %dma_start3A_212 = tpu.memref_slice %arg5[%multiple_of3A_204, %dma_start3A_211] : memref<20480x128xf32, #tpu.memory_space<hbm>> -> memref<64x128xf32, #tpu.memory_space<hbm>>
    tpu.enqueue_dma source(%arg8 : memref<64x128xf32, #tpu.memory_space<vmem>>) target(%dma_start3A_212 : memref<64x128xf32, #tpu.memory_space<hbm>>) target_semaphore(%arg16 : memref<!tpu.dma_semaphore, #tpu.memory_space<semaphore_mem>>)
    %dma_wait3A_213 = arith.constant 0 : i32
    %dma_wait3A_214 = tpu.memref_slice %arg5[%multiple_of3A_176, %dma_wait3A_213] : memref<20480x128xf32, #tpu.memory_space<hbm>> -> memref<64x128xf32, #tpu.memory_space<hbm>>
    %dma_wait3A_215 = arith.constant 0 : i32
    %dma_wait3A_216 = tpu.memref_slice %arg5[%multiple_of3A_176, %dma_wait3A_215] : memref<20480x128xf32, #tpu.memory_space<hbm>> -> memref<64x128xf32, #tpu.memory_space<hbm>>
    tpu.wait_dma2 semaphore(%arg17 : memref<!tpu.dma_semaphore, #tpu.memory_space<semaphore_mem>>) src(%arg9 : memref<64x128xf32, #tpu.memory_space<vmem>>) dst(%dma_wait3A_216 : memref<64x128xf32, #tpu.memory_space<hbm>>)
    %mul3A_217 = arith.constant 640 : i32
    %mul3A_218 = arith.muli %arg1, %mul3A_217 : i32
    %add3A_219 = arith.constant 192 : i32
    %add3A_220 = arith.addi %mul3A_218, %add3A_219 : i32
    %dma_start3A_221 = arith.constant 0 : i32
    %dma_start3A_222 = tpu.memref_slice %arg12[%add3A_220, %dma_start3A_221] : memref<10240x128xf32, #tpu.memory_space<vmem_shared>> -> memref<64x128xf32, #tpu.memory_space<vmem_shared>>
    %dma_start3A_223 = arith.constant 0 : i32
    %dma_start3A_224 = tpu.memref_slice %arg12[%add3A_220, %dma_start3A_223] : memref<10240x128xf32, #tpu.memory_space<vmem_shared>> -> memref<64x128xf32, #tpu.memory_space<vmem_shared>>
    tpu.enqueue_dma source(%dma_start3A_224 : memref<64x128xf32, #tpu.memory_space<vmem_shared>>) target(%arg9 : memref<64x128xf32, #tpu.memory_space<vmem>>) target_semaphore(%arg14 : memref<!tpu.dma_semaphore, #tpu.memory_space<semaphore_mem>>)
    %mul3A_225 = arith.constant 640 : i32
    %mul3A_226 = arith.muli %arg1, %mul3A_225 : i32
    %add3A_227 = arith.constant 192 : i32
    %add3A_228 = arith.addi %mul3A_226, %add3A_227 : i32
    %mul3A_229 = arith.constant 10240 : i32
    %mul3A_230 = arith.muli %arg0, %mul3A_229 : i32
    %add3A_231 = arith.addi %mul3A_230, %add3A_228 : i32
    %multiple_of3A_232 = tpu.assume_multiple %add3A_231, 64 : i32
    %dma_wait3A_233 = arith.constant 0 : i32
    %dma_wait3A_234 = tpu.memref_slice %arg12[%add3A_220, %dma_wait3A_233] : memref<10240x128xf32, #tpu.memory_space<vmem_shared>> -> memref<64x128xf32, #tpu.memory_space<vmem_shared>>
    %dma_wait3A_235 = arith.constant 0 : i32
    %dma_wait3A_236 = tpu.memref_slice %arg12[%add3A_220, %dma_wait3A_235] : memref<10240x128xf32, #tpu.memory_space<vmem_shared>> -> memref<64x128xf32, #tpu.memory_space<vmem_shared>>
    tpu.wait_dma2 semaphore(%arg14 : memref<!tpu.dma_semaphore, #tpu.memory_space<semaphore_mem>>) src(%dma_wait3A_236 : memref<64x128xf32, #tpu.memory_space<vmem_shared>>) dst(%arg9 : memref<64x128xf32, #tpu.memory_space<vmem>>)
    %dma_start3A_237 = arith.constant 0 : i32
    %dma_start3A_238 = tpu.memref_slice %arg5[%multiple_of3A_232, %dma_start3A_237] : memref<20480x128xf32, #tpu.memory_space<hbm>> -> memref<64x128xf32, #tpu.memory_space<hbm>>
    %dma_start3A_239 = arith.constant 0 : i32
    %dma_start3A_240 = tpu.memref_slice %arg5[%multiple_of3A_232, %dma_start3A_239] : memref<20480x128xf32, #tpu.memory_space<hbm>> -> memref<64x128xf32, #tpu.memory_space<hbm>>
    tpu.enqueue_dma source(%arg9 : memref<64x128xf32, #tpu.memory_space<vmem>>) target(%dma_start3A_240 : memref<64x128xf32, #tpu.memory_space<hbm>>) target_semaphore(%arg17 : memref<!tpu.dma_semaphore, #tpu.memory_space<semaphore_mem>>)
    %dma_wait3A_241 = arith.constant 0 : i32
    %dma_wait3A_242 = tpu.memref_slice %arg5[%multiple_of3A_204, %dma_wait3A_241] : memref<20480x128xf32, #tpu.memory_space<hbm>> -> memref<64x128xf32, #tpu.memory_space<hbm>>
    %dma_wait3A_243 = arith.constant 0 : i32
    %dma_wait3A_244 = tpu.memref_slice %arg5[%multiple_of3A_204, %dma_wait3A_243] : memref<20480x128xf32, #tpu.memory_space<hbm>> -> memref<64x128xf32, #tpu.memory_space<hbm>>
    tpu.wait_dma2 semaphore(%arg16 : memref<!tpu.dma_semaphore, #tpu.memory_space<semaphore_mem>>) src(%arg8 : memref<64x128xf32, #tpu.memory_space<vmem>>) dst(%dma_wait3A_244 : memref<64x128xf32, #tpu.memory_space<hbm>>)
    %mul3A_245 = arith.constant 640 : i32
    %mul3A_246 = arith.muli %arg1, %mul3A_245 : i32
    %add3A_247 = arith.constant 256 : i32
    %add3A_248 = arith.addi %mul3A_246, %add3A_247 : i32
    %dma_start3A_249 = arith.constant 0 : i32
    %dma_start3A_250 = tpu.memref_slice %arg12[%add3A_248, %dma_start3A_249] : memref<10240x128xf32, #tpu.memory_space<vmem_shared>> -> memref<64x128xf32, #tpu.memory_space<vmem_shared>>
    %dma_start3A_251 = arith.constant 0 : i32
    %dma_start3A_252 = tpu.memref_slice %arg12[%add3A_248, %dma_start3A_251] : memref<10240x128xf32, #tpu.memory_space<vmem_shared>> -> memref<64x128xf32, #tpu.memory_space<vmem_shared>>
    tpu.enqueue_dma source(%dma_start3A_252 : memref<64x128xf32, #tpu.memory_space<vmem_shared>>) target(%arg8 : memref<64x128xf32, #tpu.memory_space<vmem>>) target_semaphore(%arg13 : memref<!tpu.dma_semaphore, #tpu.memory_space<semaphore_mem>>)
    %mul3A_253 = arith.constant 640 : i32
    %mul3A_254 = arith.muli %arg1, %mul3A_253 : i32
    %add3A_255 = arith.constant 256 : i32
    %add3A_256 = arith.addi %mul3A_254, %add3A_255 : i32
    %mul3A_257 = arith.constant 10240 : i32
    %mul3A_258 = arith.muli %arg0, %mul3A_257 : i32
    %add3A_259 = arith.addi %mul3A_258, %add3A_256 : i32
    %multiple_of3A_260 = tpu.assume_multiple %add3A_259, 64 : i32
    %dma_wait3A_261 = arith.constant 0 : i32
    %dma_wait3A_262 = tpu.memref_slice %arg12[%add3A_248, %dma_wait3A_261] : memref<10240x128xf32, #tpu.memory_space<vmem_shared>> -> memref<64x128xf32, #tpu.memory_space<vmem_shared>>
    %dma_wait3A_263 = arith.constant 0 : i32
    %dma_wait3A_264 = tpu.memref_slice %arg12[%add3A_248, %dma_wait3A_263] : memref<10240x128xf32, #tpu.memory_space<vmem_shared>> -> memref<64x128xf32, #tpu.memory_space<vmem_shared>>
    tpu.wait_dma2 semaphore(%arg13 : memref<!tpu.dma_semaphore, #tpu.memory_space<semaphore_mem>>) src(%dma_wait3A_264 : memref<64x128xf32, #tpu.memory_space<vmem_shared>>) dst(%arg8 : memref<64x128xf32, #tpu.memory_space<vmem>>)
    %dma_start3A_265 = arith.constant 0 : i32
    %dma_start3A_266 = tpu.memref_slice %arg5[%multiple_of3A_260, %dma_start3A_265] : memref<20480x128xf32, #tpu.memory_space<hbm>> -> memref<64x128xf32, #tpu.memory_space<hbm>>
    %dma_start3A_267 = arith.constant 0 : i32
    %dma_start3A_268 = tpu.memref_slice %arg5[%multiple_of3A_260, %dma_start3A_267] : memref<20480x128xf32, #tpu.memory_space<hbm>> -> memref<64x128xf32, #tpu.memory_space<hbm>>
    tpu.enqueue_dma source(%arg8 : memref<64x128xf32, #tpu.memory_space<vmem>>) target(%dma_start3A_268 : memref<64x128xf32, #tpu.memory_space<hbm>>) target_semaphore(%arg16 : memref<!tpu.dma_semaphore, #tpu.memory_space<semaphore_mem>>)
    %dma_wait3A_269 = arith.constant 0 : i32
    %dma_wait3A_270 = tpu.memref_slice %arg5[%multiple_of3A_232, %dma_wait3A_269] : memref<20480x128xf32, #tpu.memory_space<hbm>> -> memref<64x128xf32, #tpu.memory_space<hbm>>
    %dma_wait3A_271 = arith.constant 0 : i32
    %dma_wait3A_272 = tpu.memref_slice %arg5[%multiple_of3A_232, %dma_wait3A_271] : memref<20480x128xf32, #tpu.memory_space<hbm>> -> memref<64x128xf32, #tpu.memory_space<hbm>>
    tpu.wait_dma2 semaphore(%arg17 : memref<!tpu.dma_semaphore, #tpu.memory_space<semaphore_mem>>) src(%arg9 : memref<64x128xf32, #tpu.memory_space<vmem>>) dst(%dma_wait3A_272 : memref<64x128xf32, #tpu.memory_space<hbm>>)
    %mul3A_273 = arith.constant 640 : i32
    %mul3A_274 = arith.muli %arg1, %mul3A_273 : i32
    %add3A_275 = arith.constant 320 : i32
    %add3A_276 = arith.addi %mul3A_274, %add3A_275 : i32
    %dma_start3A_277 = arith.constant 0 : i32
    %dma_start3A_278 = tpu.memref_slice %arg12[%add3A_276, %dma_start3A_277] : memref<10240x128xf32, #tpu.memory_space<vmem_shared>> -> memref<64x128xf32, #tpu.memory_space<vmem_shared>>
    %dma_start3A_279 = arith.constant 0 : i32
    %dma_start3A_280 = tpu.memref_slice %arg12[%add3A_276, %dma_start3A_279] : memref<10240x128xf32, #tpu.memory_space<vmem_shared>> -> memref<64x128xf32, #tpu.memory_space<vmem_shared>>
    tpu.enqueue_dma source(%dma_start3A_280 : memref<64x128xf32, #tpu.memory_space<vmem_shared>>) target(%arg9 : memref<64x128xf32, #tpu.memory_space<vmem>>) target_semaphore(%arg14 : memref<!tpu.dma_semaphore, #tpu.memory_space<semaphore_mem>>)
    %mul3A_281 = arith.constant 640 : i32
    %mul3A_282 = arith.muli %arg1, %mul3A_281 : i32
    %add3A_283 = arith.constant 320 : i32
    %add3A_284 = arith.addi %mul3A_282, %add3A_283 : i32
    %mul3A_285 = arith.constant 10240 : i32
    %mul3A_286 = arith.muli %arg0, %mul3A_285 : i32
    %add3A_287 = arith.addi %mul3A_286, %add3A_284 : i32
    %multiple_of3A_288 = tpu.assume_multiple %add3A_287, 64 : i32
    %dma_wait3A_289 = arith.constant 0 : i32
    %dma_wait3A_290 = tpu.memref_slice %arg12[%add3A_276, %dma_wait3A_289] : memref<10240x128xf32, #tpu.memory_space<vmem_shared>> -> memref<64x128xf32, #tpu.memory_space<vmem_shared>>
    %dma_wait3A_291 = arith.constant 0 : i32
    %dma_wait3A_292 = tpu.memref_slice %arg12[%add3A_276, %dma_wait3A_291] : memref<10240x128xf32, #tpu.memory_space<vmem_shared>> -> memref<64x128xf32, #tpu.memory_space<vmem_shared>>
    tpu.wait_dma2 semaphore(%arg14 : memref<!tpu.dma_semaphore, #tpu.memory_space<semaphore_mem>>) src(%dma_wait3A_292 : memref<64x128xf32, #tpu.memory_space<vmem_shared>>) dst(%arg9 : memref<64x128xf32, #tpu.memory_space<vmem>>)
    %dma_start3A_293 = arith.constant 0 : i32
    %dma_start3A_294 = tpu.memref_slice %arg5[%multiple_of3A_288, %dma_start3A_293] : memref<20480x128xf32, #tpu.memory_space<hbm>> -> memref<64x128xf32, #tpu.memory_space<hbm>>
    %dma_start3A_295 = arith.constant 0 : i32
    %dma_start3A_296 = tpu.memref_slice %arg5[%multiple_of3A_288, %dma_start3A_295] : memref<20480x128xf32, #tpu.memory_space<hbm>> -> memref<64x128xf32, #tpu.memory_space<hbm>>
    tpu.enqueue_dma source(%arg9 : memref<64x128xf32, #tpu.memory_space<vmem>>) target(%dma_start3A_296 : memref<64x128xf32, #tpu.memory_space<hbm>>) target_semaphore(%arg17 : memref<!tpu.dma_semaphore, #tpu.memory_space<semaphore_mem>>)
    %dma_wait3A_297 = arith.constant 0 : i32
    %dma_wait3A_298 = tpu.memref_slice %arg5[%multiple_of3A_260, %dma_wait3A_297] : memref<20480x128xf32, #tpu.memory_space<hbm>> -> memref<64x128xf32, #tpu.memory_space<hbm>>
    %dma_wait3A_299 = arith.constant 0 : i32
    %dma_wait3A_300 = tpu.memref_slice %arg5[%multiple_of3A_260, %dma_wait3A_299] : memref<20480x128xf32, #tpu.memory_space<hbm>> -> memref<64x128xf32, #tpu.memory_space<hbm>>
    tpu.wait_dma2 semaphore(%arg16 : memref<!tpu.dma_semaphore, #tpu.memory_space<semaphore_mem>>) src(%arg8 : memref<64x128xf32, #tpu.memory_space<vmem>>) dst(%dma_wait3A_300 : memref<64x128xf32, #tpu.memory_space<hbm>>)
    %mul3A_301 = arith.constant 640 : i32
    %mul3A_302 = arith.muli %arg1, %mul3A_301 : i32
    %add3A_303 = arith.constant 384 : i32
    %add3A_304 = arith.addi %mul3A_302, %add3A_303 : i32
    %dma_start3A_305 = arith.constant 0 : i32
    %dma_start3A_306 = tpu.memref_slice %arg12[%add3A_304, %dma_start3A_305] : memref<10240x128xf32, #tpu.memory_space<vmem_shared>> -> memref<64x128xf32, #tpu.memory_space<vmem_shared>>
    %dma_start3A_307 = arith.constant 0 : i32
    %dma_start3A_308 = tpu.memref_slice %arg12[%add3A_304, %dma_start3A_307] : memref<10240x128xf32, #tpu.memory_space<vmem_shared>> -> memref<64x128xf32, #tpu.memory_space<vmem_shared>>
    tpu.enqueue_dma source(%dma_start3A_308 : memref<64x128xf32, #tpu.memory_space<vmem_shared>>) target(%arg8 : memref<64x128xf32, #tpu.memory_space<vmem>>) target_semaphore(%arg13 : memref<!tpu.dma_semaphore, #tpu.memory_space<semaphore_mem>>)
    %mul3A_309 = arith.constant 640 : i32
    %mul3A_310 = arith.muli %arg1, %mul3A_309 : i32
    %add3A_311 = arith.constant 384 : i32
    %add3A_312 = arith.addi %mul3A_310, %add3A_311 : i32
    %mul3A_313 = arith.constant 10240 : i32
    %mul3A_314 = arith.muli %arg0, %mul3A_313 : i32
    %add3A_315 = arith.addi %mul3A_314, %add3A_312 : i32
    %multiple_of3A_316 = tpu.assume_multiple %add3A_315, 64 : i32
    %dma_wait3A_317 = arith.constant 0 : i32
    %dma_wait3A_318 = tpu.memref_slice %arg12[%add3A_304, %dma_wait3A_317] : memref<10240x128xf32, #tpu.memory_space<vmem_shared>> -> memref<64x128xf32, #tpu.memory_space<vmem_shared>>
    %dma_wait3A_319 = arith.constant 0 : i32
    %dma_wait3A_320 = tpu.memref_slice %arg12[%add3A_304, %dma_wait3A_319] : memref<10240x128xf32, #tpu.memory_space<vmem_shared>> -> memref<64x128xf32, #tpu.memory_space<vmem_shared>>
    tpu.wait_dma2 semaphore(%arg13 : memref<!tpu.dma_semaphore, #tpu.memory_space<semaphore_mem>>) src(%dma_wait3A_320 : memref<64x128xf32, #tpu.memory_space<vmem_shared>>) dst(%arg8 : memref<64x128xf32, #tpu.memory_space<vmem>>)
    %dma_start3A_321 = arith.constant 0 : i32
    %dma_start3A_322 = tpu.memref_slice %arg5[%multiple_of3A_316, %dma_start3A_321] : memref<20480x128xf32, #tpu.memory_space<hbm>> -> memref<64x128xf32, #tpu.memory_space<hbm>>
    %dma_start3A_323 = arith.constant 0 : i32
    %dma_start3A_324 = tpu.memref_slice %arg5[%multiple_of3A_316, %dma_start3A_323] : memref<20480x128xf32, #tpu.memory_space<hbm>> -> memref<64x128xf32, #tpu.memory_space<hbm>>
    tpu.enqueue_dma source(%arg8 : memref<64x128xf32, #tpu.memory_space<vmem>>) target(%dma_start3A_324 : memref<64x128xf32, #tpu.memory_space<hbm>>) target_semaphore(%arg16 : memref<!tpu.dma_semaphore, #tpu.memory_space<semaphore_mem>>)
    %dma_wait3A_325 = arith.constant 0 : i32
    %dma_wait3A_326 = tpu.memref_slice %arg5[%multiple_of3A_288, %dma_wait3A_325] : memref<20480x128xf32, #tpu.memory_space<hbm>> -> memref<64x128xf32, #tpu.memory_space<hbm>>
    %dma_wait3A_327 = arith.constant 0 : i32
    %dma_wait3A_328 = tpu.memref_slice %arg5[%multiple_of3A_288, %dma_wait3A_327] : memref<20480x128xf32, #tpu.memory_space<hbm>> -> memref<64x128xf32, #tpu.memory_space<hbm>>
    tpu.wait_dma2 semaphore(%arg17 : memref<!tpu.dma_semaphore, #tpu.memory_space<semaphore_mem>>) src(%arg9 : memref<64x128xf32, #tpu.memory_space<vmem>>) dst(%dma_wait3A_328 : memref<64x128xf32, #tpu.memory_space<hbm>>)
    %mul3A_329 = arith.constant 640 : i32
    %mul3A_330 = arith.muli %arg1, %mul3A_329 : i32
    %add3A_331 = arith.constant 448 : i32
    %add3A_332 = arith.addi %mul3A_330, %add3A_331 : i32
    %dma_start3A_333 = arith.constant 0 : i32
    %dma_start3A_334 = tpu.memref_slice %arg12[%add3A_332, %dma_start3A_333] : memref<10240x128xf32, #tpu.memory_space<vmem_shared>> -> memref<64x128xf32, #tpu.memory_space<vmem_shared>>
    %dma_start3A_335 = arith.constant 0 : i32
    %dma_start3A_336 = tpu.memref_slice %arg12[%add3A_332, %dma_start3A_335] : memref<10240x128xf32, #tpu.memory_space<vmem_shared>> -> memref<64x128xf32, #tpu.memory_space<vmem_shared>>
    tpu.enqueue_dma source(%dma_start3A_336 : memref<64x128xf32, #tpu.memory_space<vmem_shared>>) target(%arg9 : memref<64x128xf32, #tpu.memory_space<vmem>>) target_semaphore(%arg14 : memref<!tpu.dma_semaphore, #tpu.memory_space<semaphore_mem>>)
    %mul3A_337 = arith.constant 640 : i32
    %mul3A_338 = arith.muli %arg1, %mul3A_337 : i32
    %add3A_339 = arith.constant 448 : i32
    %add3A_340 = arith.addi %mul3A_338, %add3A_339 : i32
    %mul3A_341 = arith.constant 10240 : i32
    %mul3A_342 = arith.muli %arg0, %mul3A_341 : i32
    %add3A_343 = arith.addi %mul3A_342, %add3A_340 : i32
    %multiple_of3A_344 = tpu.assume_multiple %add3A_343, 64 : i32
    %dma_wait3A_345 = arith.constant 0 : i32
    %dma_wait3A_346 = tpu.memref_slice %arg12[%add3A_332, %dma_wait3A_345] : memref<10240x128xf32, #tpu.memory_space<vmem_shared>> -> memref<64x128xf32, #tpu.memory_space<vmem_shared>>
    %dma_wait3A_347 = arith.constant 0 : i32
    %dma_wait3A_348 = tpu.memref_slice %arg12[%add3A_332, %dma_wait3A_347] : memref<10240x128xf32, #tpu.memory_space<vmem_shared>> -> memref<64x128xf32, #tpu.memory_space<vmem_shared>>
    tpu.wait_dma2 semaphore(%arg14 : memref<!tpu.dma_semaphore, #tpu.memory_space<semaphore_mem>>) src(%dma_wait3A_348 : memref<64x128xf32, #tpu.memory_space<vmem_shared>>) dst(%arg9 : memref<64x128xf32, #tpu.memory_space<vmem>>)
    %dma_start3A_349 = arith.constant 0 : i32
    %dma_start3A_350 = tpu.memref_slice %arg5[%multiple_of3A_344, %dma_start3A_349] : memref<20480x128xf32, #tpu.memory_space<hbm>> -> memref<64x128xf32, #tpu.memory_space<hbm>>
    %dma_start3A_351 = arith.constant 0 : i32
    %dma_start3A_352 = tpu.memref_slice %arg5[%multiple_of3A_344, %dma_start3A_351] : memref<20480x128xf32, #tpu.memory_space<hbm>> -> memref<64x128xf32, #tpu.memory_space<hbm>>
    tpu.enqueue_dma source(%arg9 : memref<64x128xf32, #tpu.memory_space<vmem>>) target(%dma_start3A_352 : memref<64x128xf32, #tpu.memory_space<hbm>>) target_semaphore(%arg17 : memref<!tpu.dma_semaphore, #tpu.memory_space<semaphore_mem>>)
    %dma_wait3A_353 = arith.constant 0 : i32
    %dma_wait3A_354 = tpu.memref_slice %arg5[%multiple_of3A_316, %dma_wait3A_353] : memref<20480x128xf32, #tpu.memory_space<hbm>> -> memref<64x128xf32, #tpu.memory_space<hbm>>
    %dma_wait3A_355 = arith.constant 0 : i32
    %dma_wait3A_356 = tpu.memref_slice %arg5[%multiple_of3A_316, %dma_wait3A_355] : memref<20480x128xf32, #tpu.memory_space<hbm>> -> memref<64x128xf32, #tpu.memory_space<hbm>>
    tpu.wait_dma2 semaphore(%arg16 : memref<!tpu.dma_semaphore, #tpu.memory_space<semaphore_mem>>) src(%arg8 : memref<64x128xf32, #tpu.memory_space<vmem>>) dst(%dma_wait3A_356 : memref<64x128xf32, #tpu.memory_space<hbm>>)
    %mul3A_357 = arith.constant 640 : i32
    %mul3A_358 = arith.muli %arg1, %mul3A_357 : i32
    %add3A_359 = arith.constant 512 : i32
    %add3A_360 = arith.addi %mul3A_358, %add3A_359 : i32
    %dma_start3A_361 = arith.constant 0 : i32
    %dma_start3A_362 = tpu.memref_slice %arg12[%add3A_360, %dma_start3A_361] : memref<10240x128xf32, #tpu.memory_space<vmem_shared>> -> memref<64x128xf32, #tpu.memory_space<vmem_shared>>
    %dma_start3A_363 = arith.constant 0 : i32
    %dma_start3A_364 = tpu.memref_slice %arg12[%add3A_360, %dma_start3A_363] : memref<10240x128xf32, #tpu.memory_space<vmem_shared>> -> memref<64x128xf32, #tpu.memory_space<vmem_shared>>
    tpu.enqueue_dma source(%dma_start3A_364 : memref<64x128xf32, #tpu.memory_space<vmem_shared>>) target(%arg8 : memref<64x128xf32, #tpu.memory_space<vmem>>) target_semaphore(%arg13 : memref<!tpu.dma_semaphore, #tpu.memory_space<semaphore_mem>>)
    %mul3A_365 = arith.constant 640 : i32
    %mul3A_366 = arith.muli %arg1, %mul3A_365 : i32
    %add3A_367 = arith.constant 512 : i32
    %add3A_368 = arith.addi %mul3A_366, %add3A_367 : i32
    %mul3A_369 = arith.constant 10240 : i32
    %mul3A_370 = arith.muli %arg0, %mul3A_369 : i32
    %add3A_371 = arith.addi %mul3A_370, %add3A_368 : i32
    %multiple_of3A_372 = tpu.assume_multiple %add3A_371, 64 : i32
    %dma_wait3A_373 = arith.constant 0 : i32
    %dma_wait3A_374 = tpu.memref_slice %arg12[%add3A_360, %dma_wait3A_373] : memref<10240x128xf32, #tpu.memory_space<vmem_shared>> -> memref<64x128xf32, #tpu.memory_space<vmem_shared>>
    %dma_wait3A_375 = arith.constant 0 : i32
    %dma_wait3A_376 = tpu.memref_slice %arg12[%add3A_360, %dma_wait3A_375] : memref<10240x128xf32, #tpu.memory_space<vmem_shared>> -> memref<64x128xf32, #tpu.memory_space<vmem_shared>>
    tpu.wait_dma2 semaphore(%arg13 : memref<!tpu.dma_semaphore, #tpu.memory_space<semaphore_mem>>) src(%dma_wait3A_376 : memref<64x128xf32, #tpu.memory_space<vmem_shared>>) dst(%arg8 : memref<64x128xf32, #tpu.memory_space<vmem>>)
    %dma_start3A_377 = arith.constant 0 : i32
    %dma_start3A_378 = tpu.memref_slice %arg5[%multiple_of3A_372, %dma_start3A_377] : memref<20480x128xf32, #tpu.memory_space<hbm>> -> memref<64x128xf32, #tpu.memory_space<hbm>>
    %dma_start3A_379 = arith.constant 0 : i32
    %dma_start3A_380 = tpu.memref_slice %arg5[%multiple_of3A_372, %dma_start3A_379] : memref<20480x128xf32, #tpu.memory_space<hbm>> -> memref<64x128xf32, #tpu.memory_space<hbm>>
    tpu.enqueue_dma source(%arg8 : memref<64x128xf32, #tpu.memory_space<vmem>>) target(%dma_start3A_380 : memref<64x128xf32, #tpu.memory_space<hbm>>) target_semaphore(%arg16 : memref<!tpu.dma_semaphore, #tpu.memory_space<semaphore_mem>>)
    %dma_wait3A_381 = arith.constant 0 : i32
    %dma_wait3A_382 = tpu.memref_slice %arg5[%multiple_of3A_344, %dma_wait3A_381] : memref<20480x128xf32, #tpu.memory_space<hbm>> -> memref<64x128xf32, #tpu.memory_space<hbm>>
    %dma_wait3A_383 = arith.constant 0 : i32
    %dma_wait3A_384 = tpu.memref_slice %arg5[%multiple_of3A_344, %dma_wait3A_383] : memref<20480x128xf32, #tpu.memory_space<hbm>> -> memref<64x128xf32, #tpu.memory_space<hbm>>
    tpu.wait_dma2 semaphore(%arg17 : memref<!tpu.dma_semaphore, #tpu.memory_space<semaphore_mem>>) src(%arg9 : memref<64x128xf32, #tpu.memory_space<vmem>>) dst(%dma_wait3A_384 : memref<64x128xf32, #tpu.memory_space<hbm>>)
    %mul3A_385 = arith.constant 640 : i32
    %mul3A_386 = arith.muli %arg1, %mul3A_385 : i32
    %add3A_387 = arith.constant 576 : i32
    %add3A_388 = arith.addi %mul3A_386, %add3A_387 : i32
    %dma_start3A_389 = arith.constant 0 : i32
    %dma_start3A_390 = tpu.memref_slice %arg12[%add3A_388, %dma_start3A_389] : memref<10240x128xf32, #tpu.memory_space<vmem_shared>> -> memref<64x128xf32, #tpu.memory_space<vmem_shared>>
    %dma_start3A_391 = arith.constant 0 : i32
    %dma_start3A_392 = tpu.memref_slice %arg12[%add3A_388, %dma_start3A_391] : memref<10240x128xf32, #tpu.memory_space<vmem_shared>> -> memref<64x128xf32, #tpu.memory_space<vmem_shared>>
    tpu.enqueue_dma source(%dma_start3A_392 : memref<64x128xf32, #tpu.memory_space<vmem_shared>>) target(%arg9 : memref<64x128xf32, #tpu.memory_space<vmem>>) target_semaphore(%arg14 : memref<!tpu.dma_semaphore, #tpu.memory_space<semaphore_mem>>)
    %mul3A_393 = arith.constant 640 : i32
    %mul3A_394 = arith.muli %arg1, %mul3A_393 : i32
    %add3A_395 = arith.constant 576 : i32
    %add3A_396 = arith.addi %mul3A_394, %add3A_395 : i32
    %mul3A_397 = arith.constant 10240 : i32
    %mul3A_398 = arith.muli %arg0, %mul3A_397 : i32
    %add3A_399 = arith.addi %mul3A_398, %add3A_396 : i32
    %multiple_of3A_400 = tpu.assume_multiple %add3A_399, 64 : i32
    %dma_wait3A_401 = arith.constant 0 : i32
    %dma_wait3A_402 = tpu.memref_slice %arg12[%add3A_388, %dma_wait3A_401] : memref<10240x128xf32, #tpu.memory_space<vmem_shared>> -> memref<64x128xf32, #tpu.memory_space<vmem_shared>>
    %dma_wait3A_403 = arith.constant 0 : i32
    %dma_wait3A_404 = tpu.memref_slice %arg12[%add3A_388, %dma_wait3A_403] : memref<10240x128xf32, #tpu.memory_space<vmem_shared>> -> memref<64x128xf32, #tpu.memory_space<vmem_shared>>
    tpu.wait_dma2 semaphore(%arg14 : memref<!tpu.dma_semaphore, #tpu.memory_space<semaphore_mem>>) src(%dma_wait3A_404 : memref<64x128xf32, #tpu.memory_space<vmem_shared>>) dst(%arg9 : memref<64x128xf32, #tpu.memory_space<vmem>>)
    %dma_start3A_405 = arith.constant 0 : i32
    %dma_start3A_406 = tpu.memref_slice %arg5[%multiple_of3A_400, %dma_start3A_405] : memref<20480x128xf32, #tpu.memory_space<hbm>> -> memref<64x128xf32, #tpu.memory_space<hbm>>
    %dma_start3A_407 = arith.constant 0 : i32
    %dma_start3A_408 = tpu.memref_slice %arg5[%multiple_of3A_400, %dma_start3A_407] : memref<20480x128xf32, #tpu.memory_space<hbm>> -> memref<64x128xf32, #tpu.memory_space<hbm>>
    tpu.enqueue_dma source(%arg9 : memref<64x128xf32, #tpu.memory_space<vmem>>) target(%dma_start3A_408 : memref<64x128xf32, #tpu.memory_space<hbm>>) target_semaphore(%arg17 : memref<!tpu.dma_semaphore, #tpu.memory_space<semaphore_mem>>)
    %dma_wait3A_409 = arith.constant 0 : i32
    %dma_wait3A_410 = tpu.memref_slice %arg5[%multiple_of3A_372, %dma_wait3A_409] : memref<20480x128xf32, #tpu.memory_space<hbm>> -> memref<64x128xf32, #tpu.memory_space<hbm>>
    %dma_wait3A_411 = arith.constant 0 : i32
    %dma_wait3A_412 = tpu.memref_slice %arg5[%multiple_of3A_372, %dma_wait3A_411] : memref<20480x128xf32, #tpu.memory_space<hbm>> -> memref<64x128xf32, #tpu.memory_space<hbm>>
    tpu.wait_dma2 semaphore(%arg16 : memref<!tpu.dma_semaphore, #tpu.memory_space<semaphore_mem>>) src(%arg8 : memref<64x128xf32, #tpu.memory_space<vmem>>) dst(%dma_wait3A_412 : memref<64x128xf32, #tpu.memory_space<hbm>>)
    %dma_wait3A_413 = arith.constant 0 : i32
    %dma_wait3A_414 = tpu.memref_slice %arg5[%multiple_of3A_400, %dma_wait3A_413] : memref<20480x128xf32, #tpu.memory_space<hbm>> -> memref<64x128xf32, #tpu.memory_space<hbm>>
    %dma_wait3A_415 = arith.constant 0 : i32
    %dma_wait3A_416 = tpu.memref_slice %arg5[%multiple_of3A_400, %dma_wait3A_415] : memref<20480x128xf32, #tpu.memory_space<hbm>> -> memref<64x128xf32, #tpu.memory_space<hbm>>
    tpu.wait_dma2 semaphore(%arg17 : memref<!tpu.dma_semaphore, #tpu.memory_space<semaphore_mem>>) src(%arg9 : memref<64x128xf32, #tpu.memory_space<vmem>>) dst(%dma_wait3A_416 : memref<64x128xf32, #tpu.memory_space<hbm>>)
    %dma_wait3A_417 = tpu.memref_slice %arg6[%mul3A_137] : memref<327680xf32, #tpu.memory_space<hbm>> -> memref<10240xf32, #tpu.memory_space<hbm>>
    %dma_wait3A_418 = tpu.memref_slice %arg6[%mul3A_137] : memref<327680xf32, #tpu.memory_space<hbm>> -> memref<10240xf32, #tpu.memory_space<hbm>>
    tpu.wait_dma2 semaphore(%arg15 : memref<!tpu.dma_semaphore, #tpu.memory_space<semaphore_mem>>) src(%arg11 : memref<10240xf32, #tpu.memory_space<vmem>>) dst(%dma_wait3A_418 : memref<10240xf32, #tpu.memory_space<hbm>>)
    return
  }
}

module attributes {stable_mosaic.version = 14 : i64} {
  func.func @_tc_dense_body(%arg0: i32, %arg1: memref<1000x128xf32, #tpu.memory_space<vmem>>, %arg2: memref<2x1000x128xf32, #tpu.memory_space<vmem>>, %arg3: memref<1000x32xf32, #tpu.memory_space<vmem>>, %arg4: memref<128x128xf32, #tpu.memory_space<vmem>>, %arg5: memref<128x128xf32, #tpu.memory_space<vmem>>, %arg6: memref<1x128xf32, #tpu.memory_space<vmem>>, %arg7: memref<1000x128xf32, #tpu.memory_space<vmem>>) attributes {dimension_semantics = [#tpu.dimension_semantics<arbitrary>], iteration_bounds = array<i64: 10>, scalar_prefetch = 0 : i64, scratch_operands = 0 : i64, tpu.core_type = #tpu.core_type<tc>, window_params = [{transform_indices = @transform_0, window_bounds = array<i64: 1000, 128>}, {transform_indices = @transform_1, window_bounds = array<i64: 2, 1000, 128>}, {transform_indices = @transform_2, window_bounds = array<i64: 1000, 32>}, {pipeline_mode = #tpu.pipeline_mode<synchronous>, transform_indices = @transform_3, window_bounds = array<i64: 128, 128>}, {pipeline_mode = #tpu.pipeline_mode<synchronous>, transform_indices = @transform_4, window_bounds = array<i64: 128, 128>}, {pipeline_mode = #tpu.pipeline_mode<synchronous>, transform_indices = @transform_5, window_bounds = array<i64: 1, 128>}, {transform_indices = @transform_6, window_bounds = array<i64: 1000, 128>}]} {
    %get3A = arith.constant 0 : index
    %get3A_0 = arith.constant 0 : index
    %get3A_1 = arith.constant 0 : index
    %get3A_2 = vector.load %arg2[%get3A, %get3A_0, %get3A_1] : memref<2x1000x128xf32, #tpu.memory_space<vmem>>, vector<1x1000x128xf32>
    %get3A_3 = vector.shape_cast %get3A_2 : vector<1x1000x128xf32> to vector<1000x128xf32>
    %get3A_4 = arith.constant 1 : index
    %get3A_5 = arith.constant 0 : index
    %get3A_6 = arith.constant 0 : index
    %get3A_7 = vector.load %arg2[%get3A_4, %get3A_5, %get3A_6] : memref<2x1000x128xf32, #tpu.memory_space<vmem>>, vector<1x1000x128xf32>
    %get3A_8 = vector.shape_cast %get3A_7 : vector<1x1000x128xf32> to vector<1000x128xf32>
    %add3A = arith.addf %get3A_3, %get3A_8 : vector<1000x128xf32>
    %get3A_9 = arith.constant 0 : index
    %get3A_10 = arith.constant 0 : index
    %get3A_11 = vector.load %arg3[%get3A_9, %get3A_10] : memref<1000x32xf32, #tpu.memory_space<vmem>>, vector<1000x32xf32>
    %reduce_sum3A = arith.constant dense<0.000000e+00> : vector<1000xf32>
    %reduce_sum3A_12 = vector.multi_reduction <add>, %get3A_11, %reduce_sum3A [1] : vector<1000x32xf32> to vector<1000xf32>
    %broadcast_in_dim3A = vector.shape_cast %reduce_sum3A_12 : vector<1000xf32> to vector<1000x1xf32>
    %max3A = arith.constant 1.000000e+00 : f32
    %max3A_13 = vector.broadcast %max3A : f32 to vector<1000x1xf32>
    %max3A_14 = arith.maximumf %broadcast_in_dim3A, %max3A_13 : vector<1000x1xf32>
    %div3A = vector.broadcast %max3A_14 : vector<1000x1xf32> to vector<1000x128xf32>
    %div3A_15 = arith.divf %add3A, %div3A : vector<1000x128xf32>
    %get3A_16 = arith.constant 0 : index
    %get3A_17 = arith.constant 0 : index
    %get3A_18 = vector.load %arg1[%get3A_16, %get3A_17] : memref<1000x128xf32, #tpu.memory_space<vmem>>, vector<1000x128xf32>
    %get3A_19 = arith.constant 0 : index
    %get3A_20 = arith.constant 0 : index
    %get3A_21 = vector.load %arg4[%get3A_19, %get3A_20] : memref<128x128xf32, #tpu.memory_space<vmem>>, vector<128x128xf32>
    %dot_general3A = arith.constant dense<0.000000e+00> : vector<1000x128xf32>
    %dot_general3A_22 = tpu.matmul %get3A_18, %get3A_21, %dot_general3A {dimension_numbers = #tpu.dot_dimension_numbers<[1], [0], [0], [1], [0, 0, 1, 1], [], []>, transpose_lhs_hint = false} : vector<1000x128xf32>, vector<128x128xf32>, vector<1000x128xf32> -> vector<1000x128xf32>
    %get3A_23 = arith.constant 0 : index
    %get3A_24 = arith.constant 0 : index
    %get3A_25 = vector.load %arg5[%get3A_23, %get3A_24] : memref<128x128xf32, #tpu.memory_space<vmem>>, vector<128x128xf32>
    %dot_general3A_26 = arith.constant dense<0.000000e+00> : vector<1000x128xf32>
    %dot_general3A_27 = tpu.matmul %div3A_15, %get3A_25, %dot_general3A_26 {dimension_numbers = #tpu.dot_dimension_numbers<[1], [0], [0], [1], [0, 0, 1, 1], [], []>, transpose_lhs_hint = false} : vector<1000x128xf32>, vector<128x128xf32>, vector<1000x128xf32> -> vector<1000x128xf32>
    %add3A_28 = arith.addf %dot_general3A_22, %dot_general3A_27 : vector<1000x128xf32>
    %get3A_29 = arith.constant 0 : index
    %get3A_30 = arith.constant 0 : index
    %get3A_31 = vector.load %arg6[%get3A_29, %get3A_30] : memref<1x128xf32, #tpu.memory_space<vmem>>, vector<1x128xf32>
    %add3A_32 = vector.broadcast %get3A_31 : vector<1x128xf32> to vector<1000x128xf32>
    %add3A_33 = arith.addf %add3A_28, %add3A_32 : vector<1000x128xf32>
    %swap3A = arith.constant 0 : index
    %swap3A_34 = arith.constant 0 : index
    %swap3A_35 = vector.load %arg7[%swap3A, %swap3A_34] : memref<1000x128xf32, #tpu.memory_space<vmem>>, vector<1000x128xf32>
    tpu.vector_store %arg7[%swap3A, %swap3A_34], %add3A_33 {strides = array<i32>} : memref<1000x128xf32, #tpu.memory_space<vmem>>, vector<1000x128xf32>,
    return
  }
  func.func @transform_0(%arg0: i32) -> (i32, i32) {
    %c0_i32 = arith.constant 0 : i32
    %c0_i32_0 = arith.constant 0 : i32
    return %arg0, %c0_i32 : i32, i32
  }
  func.func @transform_1(%arg0: i32) -> (i32, i32, i32) {
    %c0_i32 = arith.constant 0 : i32
    %c0_i32_0 = arith.constant 0 : i32
    %c0_i32_1 = arith.constant 0 : i32
    return %c0_i32, %arg0, %c0_i32_0 : i32, i32, i32
  }
  func.func @transform_2(%arg0: i32) -> (i32, i32) {
    %c0_i32 = arith.constant 0 : i32
    %c0_i32_0 = arith.constant 0 : i32
    return %arg0, %c0_i32 : i32, i32
  }
  func.func @transform_3(%arg0: i32) -> (i32, i32) {
    %c0_i32 = arith.constant 0 : i32
    %c0_i32_0 = arith.constant 0 : i32
    %c0_i32_1 = arith.constant 0 : i32
    return %c0_i32, %c0_i32_0 : i32, i32
  }
  func.func @transform_4(%arg0: i32) -> (i32, i32) {
    %c0_i32 = arith.constant 0 : i32
    %c0_i32_0 = arith.constant 0 : i32
    %c0_i32_1 = arith.constant 0 : i32
    return %c0_i32, %c0_i32_0 : i32, i32
  }
  func.func @transform_5(%arg0: i32) -> (i32, i32) {
    %c0_i32 = arith.constant 0 : i32
    %c0_i32_0 = arith.constant 0 : i32
    %c0_i32_1 = arith.constant 0 : i32
    return %c0_i32, %c0_i32_0 : i32, i32
  }
  func.func @transform_6(%arg0: i32) -> (i32, i32) {
    %c0_i32 = arith.constant 0 : i32
    %c0_i32_0 = arith.constant 0 : i32
    return %arg0, %c0_i32 : i32, i32
  }
}

</mosaic_0001>

<sc_bundles>
// kernel: kernel.4.cloned.1.call-start
scs
__scs_entry_jumppad:
0x0: {  	(pc) =	sbr.rel $0x88, $3  }
0x1: {  	(tag) =	ssettag $0x0;
	lr =	simm.s32 $0x1  }
0x2: {  	[smem:$0x3F9D] =	sst lr;
	_ =	strace $0xD0000000  }
0x3: {  	_ = 	snop  }
0x4: {  	_ = 	snop  }
0x5: {  	_ = 	snop  }
0x6: {  	_ = 	snop  }
0x7: {  	_ = 	snop  }
__scs_overlays_trampoline_lowered:
0x8: {  	[smem:$0x3FAC] =	sst s0  }
0x9: {  	[smem:$0x3FAD] =	sst s1  }
0xa: {  	[smem:$0x3FAE] =	sst s2  }
0xb: {  	[smem:$0x3FAF] =	sst s3  }
0xc: {  	[smem:$0x3FB0] =	sst s4  }
0xd: {  	[smem:$0x3FB1] =	sst s5  }
0xe: {  	[smem:$0x3FB2] =	sst s6  }
0xf: {  	[smem:$0x3FB3] =	sst s7  }
0x10: {  	[smem:$0x3FB4] =	sst s8  }
0x11: {  	[smem:$0x3FB5] =	sst s9;
	s0 =	simm.s32 @!p0 $0x0  }
0x12: {  	s1 =	sld [smem:$0x3F9B];
	s0 =	simm.s32 @p0 $0x1  }
0x13: {  	[smem:$0x3FB6] =	sst s0;
	s0 =	simm.s32 @!p1 $0x0  }
0x14: {  	s2 =	sld [smem:$0x3F9A];
	s0 =	simm.s32 @p1 $0x1  }
0x15: {  	[smem:$0x3FB7] =	sst s0;
	s0 =	simm.s32 @!p2 $0x0  }
0x16: {  	s3 =	sld [smem:$0x3FDB];
	s0 =	simm.s32 @p2 $0x1  }
0x17: {  	s4 =	simm.s32 $0x1BF5;
	[smem:$0x3FB9] =	sst s0  }
0x18: {  	s0 =	sld [smem:$0x3F9C];
	_ =	swait.ge [sflag:s4], $0x0  }
0x19: {  	s7 =	sld [smem:$0x3F9D]  }
0x1a: {  	s8 =	sadd.s32 $0xFFFFE003, lr  }
0x1b: {  	s9 =	sadd.s32 $0xFFFFFEF7, lr;
	s5 =	simm.s32 $0xFFFFFFFF;
	p2 =	slt.u32 s8, $0xFFFFF086  }
0x1c: {  	p1 =	slt.u32 s9, $0xF7A;
	s5 =	simm.s32 @!p2 $0x0  }
0x1d: {  	s5 =	simm.s32 @p1 $0x1;
	p0 =	seq.s32 s7, s2  }
0x1e: {  	s7 =	smul.u32 @!p0 $0xF7A, s2;
	p2 =	seq.s32 @!p0 s5, $0x0  }
0x1f: {  	s9 =	smul.u32 $0xF7A, s1;
	s8 =	simm.s32 @!p0 $0x1BF5;
	p2 =	por !p2, p0  }
0x20: {  	[sflag:s8] =	ssyncset.s32 @!p0 $0xFFFFF086;
	s6 =	sadd.s32 @!p0 s3, s7;
	s7 =	simm.s32 @!p0 $0x108  }
0x21: {  	s3 =	sadd.s32 s3, s9;
	s6 =	sadd.s32 @!p0 $0x88, s6;
	s7 =	simm.s32 @p2 $0x1082  }
0x22: {  	[simem:s7], [sflag:s8] =	dma.local @!p0 [hbm:s6], $0xF7A  }
0x23: {  	s9 =	sor.u32 $0xD0000000, s2;
	s6 =	simm.s32 $0x108;
	_ =	swait.ge @!p0 [sflag:s8], $0x0  }
0x24: {  	s3 =	sadd.s32 $0x88, s3;
	s6 =	simm.s32 @!p1 $0x1082;
	[sflag:s4] =	ssyncset.s32 $0xFFFFF086  }
0x25: {  	[simem:s6], [sflag:s4] =	dma.local [hbm:s3], $0xF7A  }
0x26: {  	[smem:$0x3F9D] =	sst s1;
	(tag) =	ssettag s2;
	_ =	strace s9  }
0x27: {  	s1 =	sld [smem:$0x3FAD]  }
0x28: {  	s2 =	sld [smem:$0x3FAE]  }
0x29: {  	s4 =	sld [smem:$0x3FB0]  }
0x2a: {  	p0 =	seq.s32 s5, $0x0;
	s5 =	sld [smem:$0x3FB1]  }
0x2b: {  	s6 =	sld [smem:$0x3FB2]  }
0x2c: {  	s7 =	sld [smem:$0x3FB3]  }
0x2d: {  	s3 =	simm.s32 $0x108;
	s8 =	sld [smem:$0x3FB4]  }
0x2e: {  	s3 =	simm.s32 @!p0 $0x1082;
	s9 =	sld [smem:$0x3FB5]  }
0x2f: {  	lr =	sadd.s32 s0, s3;
	s0 =	sld [smem:$0x3FAC]  }
0x30: {  	s3 =	sld [smem:$0x3FAF]  }
0x31: {  	[smem:$0x3FB8] =	sst s10  }
0x32: {  	s10 =	sld [smem:$0x3FB6];
	_ =	sdelay $0x3  }
0x33: {  	p0 =	seq.s32 s10, $0x1;
	s10 =	sld [smem:$0x3FB8];
	_ =	sdelay $0x3  }
0x34: {  	[smem:$0x3FB8] =	sst s10  }
0x35: {  	s10 =	sld [smem:$0x3FB7];
	_ =	sdelay $0x3  }
0x36: {  	p1 =	seq.s32 s10, $0x1;
	s10 =	sld [smem:$0x3FB8];
	_ =	sdelay $0x3  }
0x37: {  	[smem:$0x3FB8] =	sst s10  }
0x38: {  	s10 =	sld [smem:$0x3FB9]  }
0x39: {  	_ = 	snop;
	(pc) =	sbr.ind lr, $3  }
0x3a: {  	_ = 	snop  }
0x3b: {  	_ = 	snop  }
0x3c: {  	p2 =	seq.s32 s10, $0x1;
	s10 =	sld [smem:$0x3FB8]  }
0x3d: {  	_ =	shalt  }
0x3e: {  	_ =	shalt  }
0x3f: {  	_ =	shalt  }
0x40: {  	_ =	shalt  }
0x41: {  	_ =	shalt  }
0x42: {  	_ =	shalt  }
0x43: {  	_ =	shalt  }
0x44: {  	_ =	shalt  }
0x45: {  	_ =	shalt  }
0x46: {  	_ =	shalt  }
0x47: {  	_ =	shalt  }
0x48: {  	_ =	shalt  }
0x49: {  	_ =	shalt  }
0x4a: {  	_ =	shalt  }
0x4b: {  	_ =	shalt  }
0x4c: {  	_ =	shalt  }
0x4d: {  	_ =	shalt  }
0x4e: {  	_ =	shalt  }
0x4f: {  	_ =	shalt  }
0x50: {  	_ =	shalt  }
0x51: {  	_ =	shalt  }
0x52: {  	_ =	shalt  }
0x53: {  	_ =	shalt  }
0x54: {  	_ =	shalt  }
0x55: {  	_ =	shalt  }
0x56: {  	_ =	shalt  }
0x57: {  	_ =	shalt  }
0x58: {  	_ =	shalt  }
0x59: {  	_ =	shalt  }
0x5a: {  	_ =	shalt  }
0x5b: {  	_ =	shalt  }
0x5c: {  	_ =	shalt  }
0x5d: {  	_ =	shalt  }
0x5e: {  	_ =	shalt  }
0x5f: {  	_ =	shalt  }
0x60: {  	_ =	shalt  }
0x61: {  	_ =	shalt  }
0x62: {  	_ =	shalt  }
0x63: {  	_ =	shalt  }
0x64: {  	_ =	shalt  }
0x65: {  	_ =	shalt  }
0x66: {  	_ =	shalt  }
0x67: {  	_ =	shalt  }
0x68: {  	_ =	shalt  }
0x69: {  	_ =	shalt  }
0x6a: {  	_ =	shalt  }
0x6b: {  	_ =	shalt  }
0x6c: {  	_ =	shalt  }
0x6d: {  	_ =	shalt  }
0x6e: {  	_ =	shalt  }
0x6f: {  	_ =	shalt  }
0x70: {  	_ =	shalt  }
0x71: {  	_ =	shalt  }
0x72: {  	_ =	shalt  }
0x73: {  	_ =	shalt  }
0x74: {  	_ =	shalt  }
0x75: {  	_ =	shalt  }
0x76: {  	_ =	shalt  }
0x77: {  	_ =	shalt  }
0x78: {  	_ =	shalt  }
0x79: {  	_ =	shalt  }
0x7a: {  	_ =	shalt  }
0x7b: {  	_ =	shalt  }
0x7c: {  	_ =	shalt  }
0x7d: {  	_ =	shalt  }
0x7e: {  	_ =	shalt  }
0x7f: {  	_ =	shalt  }
0x80: {  	_ =	shalt  }
0x81: {  	_ =	shalt  }
0x82: {  	_ =	shalt  }
0x83: {  	_ =	shalt  }
0x84: {  	_ =	shalt  }
0x85: {  	_ =	shalt  }
0x86: {  	_ =	shalt  }
0x87: {  	_ =	shalt  }
.Lfunc_end0:
.L_simem_size_0:
called_computation_lowered:
.L_overlay_start_0:
0x88: {  	s2 =	sld [smem:$0x3FD9]  }
0x89: {  	s3 =	sld [smem:$0x3FFE];
	_ =	sdelay $0x1  }
0x8a: {  	s1 =	srdreg.scid  }
0x8b: {  	s0 =	sand.u32 $0x1, s1  }
0x8c: {  	s17 =	sshll.u32 s0, $0xA;
	s2 =	sadd.s32 s3, s2  }
0x8d: {  	s2 =	sadd.s32 s2, s17  }
0x8e: {  	[smem:$0x3FC4] =	sst s2  }
0x8f: {  	_ = 	snop  }
0x90: {  	s2 =	sld [smem:$0x3FC9]  }
0x91: {  	s18 =	sld [smem:$0x3FD0];
	(tm) =	ssettm $0x1  }
0x92: {  	s4 =	sld [smem:$0x3FFB];
	_ =	sdelay $0x3  }
0x93: {  	_ =	strace s4  }
0x94: {  	s4 =	sld [smem:$0x3FFC];
	_ =	sdelay $0x3  }
0x95: {  	_ =	strace s4  }
0x96: {  	s4 =	sld [smem:$0x3FFD];
	_ =	sdelay $0x3  }
0x97: {  	_ =	strace s4  }
0x98: {  	_ =	strace $0x8FFFFFFF  }
0x99: {  	s19 =	sld [smem:$0x3FDB];
	_ =	sdelay $0x1  }
0x9a: {  	s5 =	simm.s32 $_scs_section_size  }
0x9b: {  	s6 =	simm.s32 $_size__tile_overlayer_lowered;
	s7 =	simm.s32 $_tile_overlayer_lowered  }
0x9c: {  	s22 =	simm.s32 $0x1BFF;
	s21 =	sshll.u32 s7, $0x1;
	s4 =	sadd.s32 s5, s19  }
0x9d: {  	s8 =	simm.s32 $0x0;
	s20 =	sshll.u32 s6, $0x1;
	s6 =	sadd.s32 s21, s4  }
0x9e: {  	[timem:s8], [sflag:s22] =	dma.local [hbm:s6], s20  }
0x9f: {  	_ =	swait.ge [sflag:s22], s20  }
0xa0: {  	s5 =	ssub.s32 $0x0, s20;
	[sflag:s22] =	ssyncset.done $0x0  }
0xa1: {  	[sflag:s22] =	ssyncadd.s32 s5;
	_ =	sdelay $0x1  }
0xa2: {  	s23 =	simm.s32 $0x1B8B  }
0xa3: {  	_ =	swait.ge [sflag:s23], $0x1  }
0xa4: {  	[sflag:s23] =	ssyncset.done $0x0  }
0xa5: {  	s25 =	simm.s32 $0x1B8E;
	s24 =	sld [smem:$0x3FFE];
	[sflag:s23] =	ssyncadd.s32 $0xFFFFFFFF  }
0xa6: {  	s26 =	simm.s32 $execute0_lowered;
	[smem:$0x3FD2] =	sst s25  }
0xa7: {  	s6 =	sshll.u32 s26, $0x1;
	_ =	strace $0x80000046;
	[dreg:$0x1] =	wrdreg $0xFFFFFFFF  }
0xa8: {  	s28 =	simm.s32 $_size_execute0_lowered;
	s4 =	sadd.s32 s4, s6;
	[dreg:$0x0] =	wrdreg $0x0  }
0xa9: {  	s6 =	sshll.u32 s28, $0x1;
	[dreg:$0x2] =	wrdreg s4  }
0xaa: {  	[dreg:$0x3] =	wrdreg s6  }
0xab: {  	[dreg:$0x4] =	wrdreg $0xC0  }
0xac: {  	_ =	task [dreg:s8], $0x5FFFF  }
0xad: {  	[dreg:$0x1] =	wrdreg $0xFFFFFFFF  }
0xae: {  	[dreg:$0x0] =	wrdreg $0x60  }
0xaf: {  	[dreg:$0x2] =	wrdreg s2  }
0xb0: {  	[dreg:$0x3] =	wrdreg s24  }
0xb1: {  	[dreg:$0x4] =	wrdreg s18  }
0xb2: {  	[dreg:$0x5] =	wrdreg $0x94000  }
0xb3: {  	[dreg:$0x6] =	wrdreg $0x9  }
0xb4: {  	_ =	task.clear_ibuf [dreg:s8], $0x7FFFF;
	_ =	strace $0x90000046  }
0xb5: {  	s29 =	simm.s32 $0x9;
	_ =	strace $0x80000048  }
0xb6: {  	_ =	swait.ge [sflag:s29], $0x1  }
0xb7: {  	[sflag:s29] =	ssyncadd.s32 $0xFFFFFFFF  }
0xb8: {  	_ =	strace $0x90000048  }
0xb9: {  	_ =	sfence  }
0xba: {  	s30 =	sld [smem:$0x0];
	_ =	sdelay $0x2  }
0xbb: {  	s31 =	sshll.u32 s1, $0xD;
	s1 =	sshrl.u32 s1, $0x2  }
0xbc: {  	s3 =	sand.u32 $0x4000, s31;
	s1 =	sadd.s32 s1, s30  }
0xbd: {  	s0 =	sor.u32 s3, s0;
	s1 =	sshll.u32 s1, $0x11  }
0xbe: {  	s0 =	sor.u32 s1, s0  }
0xbf: {  	s0 =	sadd.s32 $0x8F2B, s0  }
0xc0: {  	[sflag:s0] =	ssyncadd.remote.s32 $0x1  }
0xc1: {  	_ =	sfence.sel $0xFFFF  }
0xc2: {  	[dreg:$0x0] =	wrdreg $0xFFFFFFFF;
	(pc) =	sbr.abs _section_cstart, $3  }
0xc3: {  	[dreg:$0x1] =	wrdreg $0xFFFFFFFF  }
0xc4: {  	_ =	task.clear_ibuf [dreg:s8], $0x2FFFF;
	_ =	strace $0x9FFFFFFF  }
0xc5: {  	(tm) =	ssettm $0x7FFFFFFF  }
tec
execute0_lowered:
.L_overlay_start_1:
0x0: {  	(tag) =	ssettag $0x1  }
0x1: {  	s1 =	rddreg [dreg:$0x0]  }
0x2: {  	s2 =	rddreg [dreg:$0x1]  }
0x3: {  	s0 =	srdreg.scid;
	s10 =	rddreg [dreg:$0x2]  }
0x4: {  	s20 =	stileid.u32;
	s3 =	rddreg [dreg:$0x3]  }
0x5: {  	s4 =	simm.s32 $0x0;
	s29 =	simm.s32 $0xC00;
	s30 =	simm.s32 $0x7  }
0x6: {  	s31 =	simm.s32 $0x1;
	s28 =	simm.s32 $0x780;
	s6 =	smul.u32 $0xC000, s20  }
0x7: {  	s5 =	sand.u32 $0x1, s0;
	[smem:$0x7FF] =	sst s4;
	s12 =	smul.u32 $0x280, s20  }
0x8: {  	s13 =	sadd.s32 $0x31400, s2;
	s0 =	smul.u32 $0xC0000, s5;
	_ =	strace $0x80000047  }
0x9: {  	s25 =	ssub.s32 $0x2, s5;
	s7 =	sshll.u32 s5, $0x4;
	s17 =	smul.u32 $0x2800, s5  }
0xa: {  	s26 =	sshrl.u32 s25, $0x1;
	s7 =	sor.u32 s20, s7;
	s14 =	sor.u32 $0x40, s12  }
0xb: {  	s15 =	sadd.s32 $0x80, s12;
	s16 =	sadd.s32 $0xC0, s12;
	s8 =	sadd.s32 $0x100, s12  }
0xc: {  	s9 =	sadd.s32 $0x140, s12;
	s18 =	sadd.s32 $0x180, s12;
	s5 =	sadd.s32 $0x1C0, s12  }
0xd: {  	s0 =	sadd.s32 s6, s0;
	s19 =	smul.u32 $0x500, s7;
	s6 =	sadd.s32 $0x200, s12  }
0xe: {  	s7 =	sadd.s32 $0x240, s12;
	s12 =	sadd.s32 s12, s17;
	s22 =	sadd.s32 s17, s15  }
0xf: {  	s24 =	sadd.s32 s17, s16;
	s0 =	sshrl.u32 s0, $0x3;
	s12 =	sshll.u32 s12, $0x4  }
0x10: {  	s23 =	sshll.u32 s22, $0x4;
	s22 =	simm.s32 $0x500;
	s11 =	sadd.s32 s0, s2  }
0x11: {  	s0 =	ssub.s32 s25, s26;
	s10 =	sadd.s32 s10, s19;
	s19 =	sadd.s32 s17, s14  }
0x12: {  	s25 =	sshll.u32 s24, $0x4;
	s26 =	sadd.s32 s17, s8;
	[dreg:$0x7] =	wrdreg s22  }
0x13: {  	s24 =	sadd.s32 s17, s18;
	s2 =	sadd.s32 $0x31000, s2;
	[dreg:$0xc] =	wrdreg s10  }
0x14: {  	s22 =	smul.u32 $0x50000, s20;
	s10 =	sadd.s32 s13, s12;
	[dreg:$0x17] =	wrdreg s2  }
0x15: {  	s21 =	sshll.u32 s19, $0x4;
	s11 =	sadd.s32 $0x1000, s11;
	[dreg:$0xd] =	wrdreg s10  }
0x16: {  	s12 =	sshll.u32 s26, $0x4;
	s19 =	simm.s32 $0x80;
	[dreg:$0x5] =	wrdreg s11  }
0x17: {  	s26 =	sadd.s32 s17, s6;
	s0 =	smax.u32 s0, $0x1;
	[dreg:$0x6] =	wrdreg s19  }
0x18: {  	s10 =	sadd.s32 s13, s21;
	s21 =	sadd.s32 s17, s9;
	[smem:$0x7FD] =	sst s0  }
0x19: {  	s0 =	simm.s32 $0x2C00;
	[dreg:$0xe] =	wrdreg s10;
	s10 =	sadd.s32 s13, s23  }
0x1a: {  	s11 =	sshll.u32 s21, $0x4;
	s23 =	simm.s32 $0x100;
	s21 =	sadd.s32 s17, s7  }
0x1b: {  	[dreg:$0xf] =	wrdreg s10;
	s10 =	sadd.s32 s13, s25;
	s11 =	sadd.s32 s13, s11  }
0x1c: {  	[dreg:$0x8] =	wrdreg s23;
	s25 =	sadd.s32 s17, s5;
	s23 =	simm.s32 $0x580  }
0x1d: {  	s17 =	sshll.u32 s9, $0x7;
	s9 =	simm.s32 $0x3;
	[dreg:$0x10] =	wrdreg s10  }
0x1e: {  	s10 =	sadd.s32 s13, s12;
	[dreg:$0x12] =	wrdreg s11;
	s11 =	sshll.u32 s25, $0x4  }
0x1f: {  	s12 =	sshll.u32 s26, $0x4;
	[dreg:$0x9] =	wrdreg s23;
	s25 =	sshrl.u32 s22, $0x2  }
0x20: {  	s26 =	simm.s32 $0x600;
	s20 =	sadd.s32 s17, s3;
	s22 =	sshll.u32 s5, $0x7  }
0x21: {  	s23 =	sshll.u32 s6, $0x7;
	s5 =	simm.s32 $0x4C00;
	[dreg:$0x11] =	wrdreg s10  }
0x22: {  	s6 =	simm.s32 $0x6C00;
	s17 =	simm.s32 $0x380;
	[dreg:$0xb] =	wrdreg s26  }
0x23: {  	s10 =	sshll.u32 s24, $0x4;
	s19 =	sadd.s32 s13, s12;
	[dreg:$0x1d] =	wrdreg s20  }
0x24: {  	s24 =	simm.s32 $0x180;
	s12 =	sshll.u32 s15, $0x7;
	[dreg:$0x15] =	wrdreg s19  }
0x25: {  	s20 =	simm.s32 $0x880;
	s10 =	sadd.s32 s13, s10;
	[dreg:$0xa] =	wrdreg s24  }
0x26: {  	s19 =	sshll.u32 s18, $0x7;
	s24 =	sshll.u32 s7, $0x7;
	s7 =	simm.s32 $0x2  }
0x27: {  	s18 =	simm.s32 $0x800;
	[dreg:$0x13] =	wrdreg s10;
	s10 =	sadd.s32 s13, s11  }
0x28: {  	s11 =	sshll.u32 s14, $0x7;
	s14 =	sadd.s32 s12, s3;
	s26 =	sadd.s32 s24, s3  }
0x29: {  	s12 =	simm.s32 $0x680;
	[dreg:$0x14] =	wrdreg s10;
	s10 =	sshll.u32 s21, $0x4  }
0x2a: {  	s2 =	sadd.s32 s11, s3;
	[dreg:$0x1a] =	wrdreg s14;
	s21 =	sadd.s32 s19, s3  }
0x2b: {  	[smem:$0x7FC] =	sst s26;
	s11 =	simm.s32 $0x200;
	s14 =	simm.s32 $0x280  }
0x2c: {  	s19 =	simm.s32 $0x400;
	s10 =	sadd.s32 s13, s10;
	[dreg:$0x19] =	wrdreg s2  }
0x2d: {  	s13 =	sshll.u32 s16, $0x7;
	s16 =	sshll.u32 s8, $0x7;
	[dreg:$0x1e] =	wrdreg s21  }
0x2e: {  	s8 =	simm.s32 $0x4;
	[dreg:$0x16] =	wrdreg s10;
	s10 =	sadd.s32 s25, s3  }
0x2f: {  	s21 =	simm.s32 $0x480;
	s15 =	sadd.s32 s13, s3;
	[dreg:$0x18] =	wrdreg s10  }
0x30: {  	s2 =	sadd.s32 s16, s3;
	s25 =	sadd.s32 s23, s3;
	[dreg:$0x1b] =	wrdreg s15  }
0x31: {  	s13 =	simm.s32 $0x6;
	s16 =	simm.s32 $0x300;
	[dreg:$0x1c] =	wrdreg s2  }
0x32: {  	s23 =	simm.s32 $0x980;
	s2 =	sadd.s32 s22, s3;
	[smem:$0x7FB] =	sst s25  }
0x33: {  	s10 =	simm.s32 $0x5;
	s15 =	simm.s32 $0x700;
	s22 =	simm.s32 $0x900  }
0x34: {  	v0 =	vimm.f32 $0.0e+00;
	v1 =	vimm.f32 $1.000000000e+00;
	s25 =	simm.s32 $0x0;
	[dreg:$0x1f] =	wrdreg s2;
	s2 =	simm.s32 $0x40  }
.LBB2_1:
0x35: {  	[smem:$0x7FA] =	sst s25;
	s25 =	simm.s32 $0x40;
	s26 =	simm.s32 $0x0  }
.LBB2_2:
0x36: {  	p0 =	sne.s32 s25, $0x9FC0;
	[tilespmem:s26+$0x6C00] =	vst v0;
	s26 =	smov.u32 s25;
	s25 =	sadd.s32 $0x40, s25  }
.Ltmp0:
0x37: {  	(pc) =	sbr.rel @p0 .LBB2_2-.Ltmp0, $2  }
0x38: {  	_ =	sdelay $0x2  }
0x39: {  	s26 =	sshra.s32 s26, $0x2  }
0x3a: {  	[tilespmem:s26+$0x6C00] =	vst v0;
	s25 =	simm.s32 $0x0;
	s24 =	rddreg [dreg:$0x17]  }
0x3b: {  	[tilespmem:s29], [sflag:$0x7] =	stream.linear.gather [hbm4b:s24+s25], $0x2000, $0x38;
	[tilespmem:$0x1D400] =	vst v63  }
0x3c: {  	_ =	swait.ge [sflag:s30], $0x2000  }
0x3d: {  	[sflag:s30] =	ssyncset.done $0x0  }
0x3e: {  	s26 =	rddreg [dreg:$0x18];
	[sflag:s30] =	ssyncadd.s32 $0xFFFFE000  }
0x3f: {  	[spmem:s26] =	stream.linear.scatter [tilespmem:s29], [sflag:$0x1], $0x2000, $0x38;
	[tilespmem:$0x1D400] =	vst v63  }
0x40: {  	s26 =	rddreg [dreg:$0x19]  }
0x41: {  	[spmem:s26] =	stream.linear.scatter [tilespmem:s29], [sflag:$0x1], $0x2000, $0x38;
	[tilespmem:$0x1D400] =	vst v63  }
0x42: {  	s26 =	rddreg [dreg:$0x1a]  }
0x43: {  	[spmem:s26] =	stream.linear.scatter [tilespmem:s29], [sflag:$0x1], $0x2000, $0x38;
	[tilespmem:$0x1D400] =	vst v63  }
0x44: {  	s26 =	rddreg [dreg:$0x1b]  }
0x45: {  	[spmem:s26] =	stream.linear.scatter [tilespmem:s29], [sflag:$0x1], $0x2000, $0x38;
	[tilespmem:$0x1D400] =	vst v63  }
0x46: {  	s26 =	rddreg [dreg:$0x1c]  }
0x47: {  	[spmem:s26] =	stream.linear.scatter [tilespmem:s29], [sflag:$0x1], $0x2000, $0x38;
	[tilespmem:$0x1D400] =	vst v63  }
0x48: {  	s26 =	rddreg [dreg:$0x1d]  }
0x49: {  	[spmem:s26] =	stream.linear.scatter [tilespmem:s29], [sflag:$0x1], $0x2000, $0x38;
	[tilespmem:$0x1D400] =	vst v63  }
0x4a: {  	s26 =	rddreg [dreg:$0x1e]  }
0x4b: {  	[spmem:s26] =	stream.linear.scatter [tilespmem:s29], [sflag:$0x1], $0x2000, $0x38;
	[tilespmem:$0x1D400] =	vst v63  }
0x4c: {  	s26 =	rddreg [dreg:$0x1f]  }
0x4d: {  	[spmem:s26] =	stream.linear.scatter [tilespmem:s29], [sflag:$0x1], $0x2000, $0x38;
	[tilespmem:$0x1D400] =	vst v63  }
0x4e: {  	s26 =	sld [smem:$0x7FB];
	_ =	sdelay $0x2  }
0x4f: {  	[spmem:s26] =	stream.linear.scatter [tilespmem:s29], [sflag:$0x1], $0x2000, $0x38;
	[tilespmem:$0x1D400] =	vst v63  }
0x50: {  	s26 =	sld [smem:$0x7FC];
	_ =	sdelay $0x2  }
0x51: {  	[spmem:s26] =	stream.linear.scatter [tilespmem:s29], [sflag:$0x1], $0x2000, $0x38;
	[tilespmem:$0x1D400] =	vst v63  }
0x52: {  	_ =	swait.ge [sflag:s31], $0x2000  }
0x53: {  	[sflag:s31] =	ssyncset.done $0x0  }
0x54: {  	[sflag:s31] =	ssyncadd.s32 $0xFFFFE000  }
0x55: {  	_ =	swait.ge [sflag:s31], $0x2000  }
0x56: {  	[sflag:s31] =	ssyncset.done $0x0  }
0x57: {  	[sflag:s31] =	ssyncadd.s32 $0xFFFFE000  }
0x58: {  	_ =	swait.ge [sflag:s31], $0x2000  }
0x59: {  	[sflag:s31] =	ssyncset.done $0x0  }
0x5a: {  	[sflag:s31] =	ssyncadd.s32 $0xFFFFE000  }
0x5b: {  	_ =	swait.ge [sflag:s31], $0x2000  }
0x5c: {  	[sflag:s31] =	ssyncset.done $0x0  }
0x5d: {  	[sflag:s31] =	ssyncadd.s32 $0xFFFFE000  }
0x5e: {  	_ =	swait.ge [sflag:s31], $0x2000  }
0x5f: {  	[sflag:s31] =	ssyncset.done $0x0  }
0x60: {  	[sflag:s31] =	ssyncadd.s32 $0xFFFFE000  }
0x61: {  	_ =	swait.ge [sflag:s31], $0x2000  }
0x62: {  	[sflag:s31] =	ssyncset.done $0x0  }
0x63: {  	[sflag:s31] =	ssyncadd.s32 $0xFFFFE000  }
0x64: {  	_ =	swait.ge [sflag:s31], $0x2000  }
0x65: {  	[sflag:s31] =	ssyncset.done $0x0  }
0x66: {  	[sflag:s31] =	ssyncadd.s32 $0xFFFFE000  }
0x67: {  	_ =	swait.ge [sflag:s31], $0x2000  }
0x68: {  	[sflag:s31] =	ssyncset.done $0x0  }
0x69: {  	[sflag:s31] =	ssyncadd.s32 $0xFFFFE000  }
0x6a: {  	_ =	swait.ge [sflag:s31], $0x2000  }
0x6b: {  	[sflag:s31] =	ssyncset.done $0x0  }
0x6c: {  	[sflag:s31] =	ssyncadd.s32 $0xFFFFE000  }
0x6d: {  	_ =	swait.ge [sflag:s31], $0x2000  }
0x6e: {  	[sflag:s31] =	ssyncset.done $0x0  }
0x6f: {  	[sflag:s31] =	ssyncadd.s32 $0xFFFFE000  }
0x70: {  	[bflag:$0x0] =	sbarrier.arrive $0xFFFF  }
.LBB2_4:
0x71: {  	s26 =	rddreg [dreg:$0x5]  }
0x72: {  	s26 =	sadd.s32 s25, s26  }
0x73: {  	[tilespmem:s4], [sflag:$0x7] =	stream.linear.gather [hbm4b:s26+s4], $0xA00, $0x38;
	[tilespmem:$0x1D400] =	vst v63  }
0x74: {  	_ =	swait.ge [sflag:s30], $0xA00  }
0x75: {  	[sflag:s30] =	ssyncset.done $0x0  }
0x76: {  	[sflag:s30] =	ssyncadd.s32 $0xFFFFF600  }
0x77: {  	[tilespmem:s29], [sflag:$0x1] =	stream.indirect.gather [hbm4b:s1+s2], $0x80, s4, s2, $0xb8;
	[tilespmem:$0x1D400] =	vst v63  }
0x78: {  	s24 =	rddreg [dreg:$0x6]  }
0x79: {  	[tilespmem:s0], [sflag:$0x2] =	stream.indirect.gather [hbm4b:s1+s2], $0x80, s24, s2, $0xb8;
	[tilespmem:$0x1D400] =	vst v63  }
0x7a: {  	_ =	swait.ge [sflag:s31], $0x2000  }
0x7b: {  	[sflag:s31] =	ssyncset.done $0x0  }
0x7c: {  	s26 =	rddreg [dreg:$0x7];
	[sflag:s31] =	ssyncadd.s32 $0xFFFFE000  }
0x7d: {  	[spmem:s3] =	stream.indirect.scatter.add.f32 [tilespmem:s29], [sflag:$0x4], $0x80, s26, s2, $0xb8;
	[tilespmem:$0x1D400] =	vst v63  }
0x7e: {  	s24 =	rddreg [dreg:$0x8]  }
0x7f: {  	[tilespmem:s5], [sflag:$0x3] =	stream.indirect.gather [hbm4b:s1+s2], $0x80, s24, s2, $0xb8;
	[tilespmem:$0x1D400] =	vst v63  }
0x80: {  	v2 =	vld [tilespmem:$0x500];
	_ =	sdelay $0x7  }
0x81: {  	[tilespmem:v2+s6+$0x0] =	vst.idx.add.f32.msk $0xffff, v1  }
0x82: {  	v2 =	vld [tilespmem:$0x510];
	_ =	sdelay $0x7  }
0x83: {  	[tilespmem:v2+s6+$0x0] =	vst.idx.add.f32.msk $0xffff, v1  }
0x84: {  	v2 =	vld [tilespmem:$0x520];
	_ =	sdelay $0x7  }
0x85: {  	[tilespmem:v2+s6+$0x0] =	vst.idx.add.f32.msk $0xffff, v1  }
0x86: {  	v2 =	vld [tilespmem:$0x530];
	_ =	sdelay $0x7  }
0x87: {  	[tilespmem:v2+s6+$0x0] =	vst.idx.add.f32.msk $0xffff, v1  }
0x88: {  	_ =	swait.ge [sflag:s7], $0x2000  }
0x89: {  	[sflag:s7] =	ssyncset.done $0x0  }
0x8a: {  	s26 =	rddreg [dreg:$0x9];
	[sflag:s7] =	ssyncadd.s32 $0xFFFFE000  }
0x8b: {  	[spmem:s3] =	stream.indirect.scatter.add.f32 [tilespmem:s0], [sflag:$0x5], $0x80, s26, s2, $0xb8;
	[tilespmem:$0x1D400] =	vst v63  }
0x8c: {  	_ =	swait.ge [sflag:s8], $0x2000  }
0x8d: {  	[sflag:s8] =	ssyncset.done $0x0  }
0x8e: {  	s26 =	rddreg [dreg:$0xa];
	[sflag:s8] =	ssyncadd.s32 $0xFFFFE000  }
0x8f: {  	[tilespmem:s29], [sflag:$0x1] =	stream.indirect.gather [hbm4b:s1+s2], $0x80, s26, s2, $0xb8;
	[tilespmem:$0x1D400] =	vst v63  }
0x90: {  	v2 =	vld [tilespmem:$0x580];
	_ =	sdelay $0x7  }
0x91: {  	[tilespmem:v2+s6+$0x0] =	vst.idx.add.f32.msk $0xffff, v1  }
0x92: {  	v2 =	vld [tilespmem:$0x590];
	_ =	sdelay $0x7  }
0x93: {  	[tilespmem:v2+s6+$0x0] =	vst.idx.add.f32.msk $0xffff, v1  }
0x94: {  	v2 =	vld [tilespmem:$0x5A0];
	_ =	sdelay $0x7  }
0x95: {  	[tilespmem:v2+s6+$0x0] =	vst.idx.add.f32.msk $0xffff, v1  }
0x96: {  	v2 =	vld [tilespmem:$0x5B0];
	_ =	sdelay $0x7  }
0x97: {  	[tilespmem:v2+s6+$0x0] =	vst.idx.add.f32.msk $0xffff, v1  }
0x98: {  	_ =	swait.ge [sflag:s9], $0x2000  }
0x99: {  	[sflag:s9] =	ssyncset.done $0x0  }
0x9a: {  	s26 =	rddreg [dreg:$0xb];
	[sflag:s9] =	ssyncadd.s32 $0xFFFFE000  }
0x9b: {  	[spmem:s3] =	stream.indirect.scatter.add.f32 [tilespmem:s5], [sflag:$0x6], $0x80, s26, s2, $0xb8;
	[tilespmem:$0x1D400] =	vst v63  }
0x9c: {  	_ =	swait.ge [sflag:s10], $0x2000  }
0x9d: {  	[sflag:s10] =	ssyncset.done $0x0  }
0x9e: {  	[sflag:s10] =	ssyncadd.s32 $0xFFFFE000  }
0x9f: {  	[tilespmem:s0], [sflag:$0x2] =	stream.indirect.gather [hbm4b:s1+s2], $0x80, s11, s2, $0xb8;
	[tilespmem:$0x1D400] =	vst v63  }
0xa0: {  	v2 =	vld [tilespmem:$0x600];
	_ =	sdelay $0x7  }
0xa1: {  	[tilespmem:v2+s6+$0x0] =	vst.idx.add.f32.msk $0xffff, v1  }
0xa2: {  	v2 =	vld [tilespmem:$0x610];
	_ =	sdelay $0x7  }
0xa3: {  	[tilespmem:v2+s6+$0x0] =	vst.idx.add.f32.msk $0xffff, v1  }
0xa4: {  	v2 =	vld [tilespmem:$0x620];
	_ =	sdelay $0x7  }
0xa5: {  	[tilespmem:v2+s6+$0x0] =	vst.idx.add.f32.msk $0xffff, v1  }
0xa6: {  	v2 =	vld [tilespmem:$0x630];
	_ =	sdelay $0x7  }
0xa7: {  	[tilespmem:v2+s6+$0x0] =	vst.idx.add.f32.msk $0xffff, v1  }
0xa8: {  	_ =	swait.ge [sflag:s31], $0x2000  }
0xa9: {  	[sflag:s31] =	ssyncset.done $0x0  }
0xaa: {  	[sflag:s31] =	ssyncadd.s32 $0xFFFFE000  }
0xab: {  	[spmem:s3] =	stream.indirect.scatter.add.f32 [tilespmem:s29], [sflag:$0x4], $0x80, s12, s2, $0xb8;
	[tilespmem:$0x1D400] =	vst v63  }
0xac: {  	_ =	swait.ge [sflag:s13], $0x2000  }
0xad: {  	[sflag:s13] =	ssyncset.done $0x0  }
0xae: {  	[sflag:s13] =	ssyncadd.s32 $0xFFFFE000  }
0xaf: {  	[tilespmem:s5], [sflag:$0x3] =	stream.indirect.gather [hbm4b:s1+s2], $0x80, s14, s2, $0xb8;
	[tilespmem:$0x1D400] =	vst v63  }
0xb0: {  	v2 =	vld [tilespmem:$0x680];
	_ =	sdelay $0x7  }
0xb1: {  	[tilespmem:v2+s6+$0x0] =	vst.idx.add.f32.msk $0xffff, v1  }
0xb2: {  	v2 =	vld [tilespmem:$0x690];
	_ =	sdelay $0x7  }
0xb3: {  	[tilespmem:v2+s6+$0x0] =	vst.idx.add.f32.msk $0xffff, v1  }
0xb4: {  	v2 =	vld [tilespmem:$0x6A0];
	_ =	sdelay $0x7  }
0xb5: {  	[tilespmem:v2+s6+$0x0] =	vst.idx.add.f32.msk $0xffff, v1  }
0xb6: {  	v2 =	vld [tilespmem:$0x6B0];
	_ =	sdelay $0x7  }
0xb7: {  	[tilespmem:v2+s6+$0x0] =	vst.idx.add.f32.msk $0xffff, v1  }
0xb8: {  	_ =	swait.ge [sflag:s7], $0x2000  }
0xb9: {  	[sflag:s7] =	ssyncset.done $0x0  }
0xba: {  	[sflag:s7] =	ssyncadd.s32 $0xFFFFE000  }
0xbb: {  	[spmem:s3] =	stream.indirect.scatter.add.f32 [tilespmem:s0], [sflag:$0x5], $0x80, s15, s2, $0xb8;
	[tilespmem:$0x1D400] =	vst v63  }
0xbc: {  	_ =	swait.ge [sflag:s8], $0x2000  }
0xbd: {  	[sflag:s8] =	ssyncset.done $0x0  }
0xbe: {  	[sflag:s8] =	ssyncadd.s32 $0xFFFFE000  }
0xbf: {  	[tilespmem:s29], [sflag:$0x1] =	stream.indirect.gather [hbm4b:s1+s2], $0x80, s16, s2, $0xb8;
	[tilespmem:$0x1D400] =	vst v63  }
0xc0: {  	v2 =	vld [tilespmem:$0x700];
	_ =	sdelay $0x7  }
0xc1: {  	[tilespmem:v2+s6+$0x0] =	vst.idx.add.f32.msk $0xffff, v1  }
0xc2: {  	v2 =	vld [tilespmem:$0x710];
	_ =	sdelay $0x7  }
0xc3: {  	[tilespmem:v2+s6+$0x0] =	vst.idx.add.f32.msk $0xffff, v1  }
0xc4: {  	v2 =	vld [tilespmem:$0x720];
	_ =	sdelay $0x7  }
0xc5: {  	[tilespmem:v2+s6+$0x0] =	vst.idx.add.f32.msk $0xffff, v1  }
0xc6: {  	v2 =	vld [tilespmem:$0x730];
	_ =	sdelay $0x7  }
0xc7: {  	[tilespmem:v2+s6+$0x0] =	vst.idx.add.f32.msk $0xffff, v1  }
0xc8: {  	_ =	swait.ge [sflag:s9], $0x2000  }
0xc9: {  	[sflag:s9] =	ssyncset.done $0x0  }
0xca: {  	[sflag:s9] =	ssyncadd.s32 $0xFFFFE000  }
0xcb: {  	[spmem:s3] =	stream.indirect.scatter.add.f32 [tilespmem:s5], [sflag:$0x6], $0x80, s28, s2, $0xb8;
	[tilespmem:$0x1D400] =	vst v63  }
0xcc: {  	_ =	swait.ge [sflag:s10], $0x2000  }
0xcd: {  	[sflag:s10] =	ssyncset.done $0x0  }
0xce: {  	[sflag:s10] =	ssyncadd.s32 $0xFFFFE000  }
0xcf: {  	[tilespmem:s0], [sflag:$0x2] =	stream.indirect.gather [hbm4b:s1+s2], $0x80, s17, s2, $0xb8;
	[tilespmem:$0x1D400] =	vst v63  }
0xd0: {  	v2 =	vld [tilespmem:$0x780];
	_ =	sdelay $0x7  }
0xd1: {  	[tilespmem:v2+s6+$0x0] =	vst.idx.add.f32.msk $0xffff, v1  }
0xd2: {  	v2 =	vld [tilespmem:$0x790];
	_ =	sdelay $0x7  }
0xd3: {  	[tilespmem:v2+s6+$0x0] =	vst.idx.add.f32.msk $0xffff, v1  }
0xd4: {  	v2 =	vld [tilespmem:$0x7A0];
	_ =	sdelay $0x7  }
0xd5: {  	[tilespmem:v2+s6+$0x0] =	vst.idx.add.f32.msk $0xffff, v1  }
0xd6: {  	v2 =	vld [tilespmem:$0x7B0];
	_ =	sdelay $0x7  }
0xd7: {  	[tilespmem:v2+s6+$0x0] =	vst.idx.add.f32.msk $0xffff, v1  }
0xd8: {  	_ =	swait.ge [sflag:s31], $0x2000  }
0xd9: {  	[sflag:s31] =	ssyncset.done $0x0  }
0xda: {  	[sflag:s31] =	ssyncadd.s32 $0xFFFFE000  }
0xdb: {  	[spmem:s3] =	stream.indirect.scatter.add.f32 [tilespmem:s29], [sflag:$0x4], $0x80, s18, s2, $0xb8;
	[tilespmem:$0x1D400] =	vst v63  }
0xdc: {  	_ =	swait.ge [sflag:s13], $0x2000  }
0xdd: {  	[sflag:s13] =	ssyncset.done $0x0  }
0xde: {  	[sflag:s13] =	ssyncadd.s32 $0xFFFFE000  }
0xdf: {  	[tilespmem:s5], [sflag:$0x3] =	stream.indirect.gather [hbm4b:s1+s2], $0x80, s19, s2, $0xb8;
	[tilespmem:$0x1D400] =	vst v63  }
0xe0: {  	v2 =	vld [tilespmem:$0x800];
	_ =	sdelay $0x7  }
0xe1: {  	[tilespmem:v2+s6+$0x0] =	vst.idx.add.f32.msk $0xffff, v1  }
0xe2: {  	v2 =	vld [tilespmem:$0x810];
	_ =	sdelay $0x7  }
0xe3: {  	[tilespmem:v2+s6+$0x0] =	vst.idx.add.f32.msk $0xffff, v1  }
0xe4: {  	v2 =	vld [tilespmem:$0x820];
	_ =	sdelay $0x7  }
0xe5: {  	[tilespmem:v2+s6+$0x0] =	vst.idx.add.f32.msk $0xffff, v1  }
0xe6: {  	v2 =	vld [tilespmem:$0x830];
	_ =	sdelay $0x7  }
0xe7: {  	[tilespmem:v2+s6+$0x0] =	vst.idx.add.f32.msk $0xffff, v1  }
0xe8: {  	_ =	swait.ge [sflag:s7], $0x2000  }
0xe9: {  	[sflag:s7] =	ssyncset.done $0x0  }
0xea: {  	[sflag:s7] =	ssyncadd.s32 $0xFFFFE000  }
0xeb: {  	[spmem:s3] =	stream.indirect.scatter.add.f32 [tilespmem:s0], [sflag:$0x5], $0x80, s20, s2, $0xb8;
	[tilespmem:$0x1D400] =	vst v63  }
0xec: {  	_ =	swait.ge [sflag:s8], $0x2000  }
0xed: {  	[sflag:s8] =	ssyncset.done $0x0  }
0xee: {  	[sflag:s8] =	ssyncadd.s32 $0xFFFFE000  }
0xef: {  	[tilespmem:s29], [sflag:$0x1] =	stream.indirect.gather [hbm4b:s1+s2], $0x80, s21, s2, $0xb8;
	[tilespmem:$0x1D400] =	vst v63  }
0xf0: {  	v2 =	vld [tilespmem:$0x880];
	_ =	sdelay $0x7  }
0xf1: {  	[tilespmem:v2+s6+$0x0] =	vst.idx.add.f32.msk $0xffff, v1  }
0xf2: {  	v2 =	vld [tilespmem:$0x890];
	_ =	sdelay $0x7  }
0xf3: {  	[tilespmem:v2+s6+$0x0] =	vst.idx.add.f32.msk $0xffff, v1  }
0xf4: {  	v2 =	vld [tilespmem:$0x8A0];
	_ =	sdelay $0x7  }
0xf5: {  	[tilespmem:v2+s6+$0x0] =	vst.idx.add.f32.msk $0xffff, v1  }
0xf6: {  	v2 =	vld [tilespmem:$0x8B0];
	_ =	sdelay $0x7  }
0xf7: {  	[tilespmem:v2+s6+$0x0] =	vst.idx.add.f32.msk $0xffff, v1  }
0xf8: {  	_ =	swait.ge [sflag:s9], $0x2000  }
0xf9: {  	[sflag:s9] =	ssyncset.done $0x0  }
0xfa: {  	[sflag:s9] =	ssyncadd.s32 $0xFFFFE000  }
0xfb: {  	[spmem:s3] =	stream.indirect.scatter.add.f32 [tilespmem:s5], [sflag:$0x6], $0x80, s22, s2, $0xb8;
	[tilespmem:$0x1D400] =	vst v63  }
0xfc: {  	v2 =	vld [tilespmem:$0x900];
	_ =	sdelay $0x7  }
0xfd: {  	[tilespmem:v2+s6+$0x0] =	vst.idx.add.f32.msk $0xffff, v1  }
0xfe: {  	v2 =	vld [tilespmem:$0x910];
	_ =	sdelay $0x7  }
0xff: {  	[tilespmem:v2+s6+$0x0] =	vst.idx.add.f32.msk $0xffff, v1  }
0x100: {  	v2 =	vld [tilespmem:$0x920];
	_ =	sdelay $0x7  }
0x101: {  	[tilespmem:v2+s6+$0x0] =	vst.idx.add.f32.msk $0xffff, v1  }
0x102: {  	v2 =	vld [tilespmem:$0x930];
	_ =	sdelay $0x7  }
0x103: {  	[tilespmem:v2+s6+$0x0] =	vst.idx.add.f32.msk $0xffff, v1  }
0x104: {  	_ =	swait.ge [sflag:s31], $0x2000  }
0x105: {  	[sflag:s31] =	ssyncset.done $0x0  }
0x106: {  	[sflag:s31] =	ssyncadd.s32 $0xFFFFE000  }
0x107: {  	[spmem:s3] =	stream.indirect.scatter.add.f32 [tilespmem:s29], [sflag:$0x4], $0x80, s23, s2, $0xb8;
	[tilespmem:$0x1D400] =	vst v63  }
0x108: {  	v2 =	vld [tilespmem:$0x980];
	_ =	sdelay $0x7  }
0x109: {  	[tilespmem:v2+s6+$0x0] =	vst.idx.add.f32.msk $0xffff, v1  }
0x10a: {  	v2 =	vld [tilespmem:$0x990];
	_ =	sdelay $0x7  }
0x10b: {  	[tilespmem:v2+s6+$0x0] =	vst.idx.add.f32.msk $0xffff, v1  }
0x10c: {  	v2 =	vld [tilespmem:$0x9A0];
	_ =	sdelay $0x7  }
0x10d: {  	[tilespmem:v2+s6+$0x0] =	vst.idx.add.f32.msk $0xffff, v1  }
0x10e: {  	v2 =	vld [tilespmem:$0x9B0];
	_ =	sdelay $0x7  }
0x10f: {  	[tilespmem:v2+s6+$0x0] =	vst.idx.add.f32.msk $0xffff, v1  }
0x110: {  	_ =	swait.ge [sflag:s10], $0x2000  }
0x111: {  	[sflag:s10] =	ssyncset.done $0x0  }
0x112: {  	[sflag:s10] =	ssyncadd.s32 $0xFFFFE000  }
0x113: {  	p0 =	sne.s32 s25, $0x1680;
	_ =	swait.ge [sflag:s13], $0x2000  }
.Ltmp1:
0x114: {  	[sflag:s13] =	ssyncset.done $0x0;
	(pc) =	sbr.rel @p0 .LBB2_4-.Ltmp1, $4  }
0x115: {  	[sflag:s13] =	ssyncadd.s32 $0xFFFFE000  }
0x116: {  	_ =	swait.ge [sflag:s8], $0x2000  }
0x117: {  	[sflag:s8] =	ssyncset.done $0x0  }
0x118: {  	s25 =	sadd.s32 $0x180, s25;
	[sflag:s8] =	ssyncadd.s32 $0xFFFFE000  }
0x119: {  	[bflag:$0x0] =	sbarrier.arrive $0xFFFF  }
0x11a: {  	s24 =	rddreg [dreg:$0xc]  }
0x11b: {  	[hbm4b:s24+s4] =	stream.linear.scatter [tilespmem:s6], [sflag:$0x3], $0x2800, $0x38;
	[tilespmem:$0x1D400] =	vst v63  }
0x11c: {  	s26 =	rddreg [dreg:$0x18]  }
0x11d: {  	[tilespmem:s29], [sflag:$0x1] =	stream.linear.gather [spmem:s26], $0x2000, $0x38;
	[tilespmem:$0x1D400] =	vst v63  }
0x11e: {  	_ =	swait.ge [sflag:s31], $0x2000  }
0x11f: {  	[sflag:s31] =	ssyncset.done $0x0  }
0x120: {  	s25 =	rddreg [dreg:$0xd];
	[sflag:s31] =	ssyncadd.s32 $0xFFFFE000  }
0x121: {  	[hbm4b:s25+s4] =	stream.linear.scatter [tilespmem:s29], [sflag:$0x4], $0x2000, $0x38;
	[tilespmem:$0x1D400] =	vst v63  }
0x122: {  	s26 =	rddreg [dreg:$0x19]  }
0x123: {  	[tilespmem:s0], [sflag:$0x2] =	stream.linear.gather [spmem:s26], $0x2000, $0x38;
	[tilespmem:$0x1D400] =	vst v63  }
0x124: {  	_ =	swait.ge [sflag:s7], $0x2000  }
0x125: {  	[sflag:s7] =	ssyncset.done $0x0  }
0x126: {  	s25 =	rddreg [dreg:$0xe];
	[sflag:s7] =	ssyncadd.s32 $0xFFFFE000  }
0x127: {  	[hbm4b:s25+s4] =	stream.linear.scatter [tilespmem:s0], [sflag:$0x5], $0x2000, $0x38;
	[tilespmem:$0x1D400] =	vst v63  }
0x128: {  	_ =	swait.ge [sflag:s8], $0x2000  }
0x129: {  	[sflag:s8] =	ssyncset.done $0x0  }
0x12a: {  	s26 =	rddreg [dreg:$0x1a];
	[sflag:s8] =	ssyncadd.s32 $0xFFFFE000  }
0x12b: {  	[tilespmem:s29], [sflag:$0x1] =	stream.linear.gather [spmem:s26], $0x2000, $0x38;
	[tilespmem:$0x1D400] =	vst v63  }
0x12c: {  	_ =	swait.ge [sflag:s31], $0x2000  }
0x12d: {  	[sflag:s31] =	ssyncset.done $0x0  }
0x12e: {  	s25 =	rddreg [dreg:$0xf];
	[sflag:s31] =	ssyncadd.s32 $0xFFFFE000  }
0x12f: {  	[hbm4b:s25+s4] =	stream.linear.scatter [tilespmem:s29], [sflag:$0x4], $0x2000, $0x38;
	[tilespmem:$0x1D400] =	vst v63  }
0x130: {  	_ =	swait.ge [sflag:s10], $0x2000  }
0x131: {  	[sflag:s10] =	ssyncset.done $0x0  }
0x132: {  	s26 =	rddreg [dreg:$0x1b];
	[sflag:s10] =	ssyncadd.s32 $0xFFFFE000  }
0x133: {  	[tilespmem:s0], [sflag:$0x2] =	stream.linear.gather [spmem:s26], $0x2000, $0x38;
	[tilespmem:$0x1D400] =	vst v63  }
0x134: {  	_ =	swait.ge [sflag:s7], $0x2000  }
0x135: {  	[sflag:s7] =	ssyncset.done $0x0  }
0x136: {  	s25 =	rddreg [dreg:$0x10];
	[sflag:s7] =	ssyncadd.s32 $0xFFFFE000  }
0x137: {  	[hbm4b:s25+s4] =	stream.linear.scatter [tilespmem:s0], [sflag:$0x5], $0x2000, $0x38;
	[tilespmem:$0x1D400] =	vst v63  }
0x138: {  	_ =	swait.ge [sflag:s8], $0x2000  }
0x139: {  	[sflag:s8] =	ssyncset.done $0x0  }
0x13a: {  	s26 =	rddreg [dreg:$0x1c];
	[sflag:s8] =	ssyncadd.s32 $0xFFFFE000  }
0x13b: {  	[tilespmem:s29], [sflag:$0x1] =	stream.linear.gather [spmem:s26], $0x2000, $0x38;
	[tilespmem:$0x1D400] =	vst v63  }
0x13c: {  	_ =	swait.ge [sflag:s31], $0x2000  }
0x13d: {  	[sflag:s31] =	ssyncset.done $0x0  }
0x13e: {  	s25 =	rddreg [dreg:$0x11];
	[sflag:s31] =	ssyncadd.s32 $0xFFFFE000  }
0x13f: {  	[hbm4b:s25+s4] =	stream.linear.scatter [tilespmem:s29], [sflag:$0x4], $0x2000, $0x38;
	[tilespmem:$0x1D400] =	vst v63  }
0x140: {  	_ =	swait.ge [sflag:s10], $0x2000  }
0x141: {  	[sflag:s10] =	ssyncset.done $0x0  }
0x142: {  	s26 =	rddreg [dreg:$0x1d];
	[sflag:s10] =	ssyncadd.s32 $0xFFFFE000  }
0x143: {  	[tilespmem:s0], [sflag:$0x2] =	stream.linear.gather [spmem:s26], $0x2000, $0x38;
	[tilespmem:$0x1D400] =	vst v63  }
0x144: {  	_ =	swait.ge [sflag:s7], $0x2000  }
0x145: {  	[sflag:s7] =	ssyncset.done $0x0  }
0x146: {  	s25 =	rddreg [dreg:$0x12];
	[sflag:s7] =	ssyncadd.s32 $0xFFFFE000  }
0x147: {  	[hbm4b:s25+s4] =	stream.linear.scatter [tilespmem:s0], [sflag:$0x5], $0x2000, $0x38;
	[tilespmem:$0x1D400] =	vst v63  }
0x148: {  	_ =	swait.ge [sflag:s8], $0x2000  }
0x149: {  	[sflag:s8] =	ssyncset.done $0x0  }
0x14a: {  	s26 =	rddreg [dreg:$0x1e];
	[sflag:s8] =	ssyncadd.s32 $0xFFFFE000  }
0x14b: {  	[tilespmem:s29], [sflag:$0x1] =	stream.linear.gather [spmem:s26], $0x2000, $0x38;
	[tilespmem:$0x1D400] =	vst v63  }
0x14c: {  	_ =	swait.ge [sflag:s31], $0x2000  }
0x14d: {  	[sflag:s31] =	ssyncset.done $0x0  }
0x14e: {  	s25 =	rddreg [dreg:$0x13];
	[sflag:s31] =	ssyncadd.s32 $0xFFFFE000  }
0x14f: {  	[hbm4b:s25+s4] =	stream.linear.scatter [tilespmem:s29], [sflag:$0x4], $0x2000, $0x38;
	[tilespmem:$0x1D400] =	vst v63  }
0x150: {  	_ =	swait.ge [sflag:s10], $0x2000  }
0x151: {  	[sflag:s10] =	ssyncset.done $0x0  }
0x152: {  	s26 =	rddreg [dreg:$0x1f];
	[sflag:s10] =	ssyncadd.s32 $0xFFFFE000  }
0x153: {  	[tilespmem:s0], [sflag:$0x2] =	stream.linear.gather [spmem:s26], $0x2000, $0x38;
	[tilespmem:$0x1D400] =	vst v63  }
0x154: {  	_ =	swait.ge [sflag:s7], $0x2000  }
0x155: {  	[sflag:s7] =	ssyncset.done $0x0  }
0x156: {  	s25 =	rddreg [dreg:$0x14];
	[sflag:s7] =	ssyncadd.s32 $0xFFFFE000  }
0x157: {  	[hbm4b:s25+s4] =	stream.linear.scatter [tilespmem:s0], [sflag:$0x5], $0x2000, $0x38;
	[tilespmem:$0x1D400] =	vst v63  }
0x158: {  	_ =	swait.ge [sflag:s8], $0x2000  }
0x159: {  	s26 =	sld [smem:$0x7FB]  }
0x15a: {  	[sflag:s8] =	ssyncset.done $0x0  }
0x15b: {  	[sflag:s8] =	ssyncadd.s32 $0xFFFFE000  }
0x15c: {  	[tilespmem:s29], [sflag:$0x1] =	stream.linear.gather [spmem:s26], $0x2000, $0x38;
	[tilespmem:$0x1D400] =	vst v63  }
0x15d: {  	_ =	swait.ge [sflag:s31], $0x2000  }
0x15e: {  	[sflag:s31] =	ssyncset.done $0x0  }
0x15f: {  	s25 =	rddreg [dreg:$0x15];
	[sflag:s31] =	ssyncadd.s32 $0xFFFFE000  }
0x160: {  	[hbm4b:s25+s4] =	stream.linear.scatter [tilespmem:s29], [sflag:$0x4], $0x2000, $0x38;
	[tilespmem:$0x1D400] =	vst v63  }
0x161: {  	_ =	swait.ge [sflag:s10], $0x2000  }
0x162: {  	s26 =	sld [smem:$0x7FC]  }
0x163: {  	[sflag:s10] =	ssyncset.done $0x0  }
0x164: {  	[sflag:s10] =	ssyncadd.s32 $0xFFFFE000  }
0x165: {  	[tilespmem:s0], [sflag:$0x2] =	stream.linear.gather [spmem:s26], $0x2000, $0x38;
	[tilespmem:$0x1D400] =	vst v63  }
0x166: {  	_ =	swait.ge [sflag:s7], $0x2000  }
0x167: {  	[sflag:s7] =	ssyncset.done $0x0  }
0x168: {  	s25 =	rddreg [dreg:$0x16];
	[sflag:s7] =	ssyncadd.s32 $0xFFFFE000  }
0x169: {  	[hbm4b:s25+s4] =	stream.linear.scatter [tilespmem:s0], [sflag:$0x5], $0x2000, $0x38;
	[tilespmem:$0x1D400] =	vst v63  }
0x16a: {  	_ =	swait.ge [sflag:s8], $0x2000  }
0x16b: {  	[sflag:s8] =	ssyncset.done $0x0  }
0x16c: {  	[sflag:s8] =	ssyncadd.s32 $0xFFFFE000  }
0x16d: {  	_ =	swait.ge [sflag:s10], $0x2000  }
0x16e: {  	[sflag:s10] =	ssyncset.done $0x0  }
0x16f: {  	[sflag:s10] =	ssyncadd.s32 $0xFFFFE000  }
0x170: {  	_ =	swait.ge [sflag:s9], $0x2800  }
0x171: {  	s25 =	sld [smem:$0x7FA]  }
0x172: {  	s26 =	sld [smem:$0x7FD];
	_ =	sdelay $0x1  }
0x173: {  	s25 =	sadd.s32 $0x1, s25  }
0x174: {  	p0 =	sne.s32 s25, s26  }
.Ltmp2:
0x175: {  	_ = 	snop;
	(pc) =	sbr.rel @p0 .LBB2_1-.Ltmp2, $3  }
0x176: {  	_ =	sdelay $0x1  }
0x177: {  	[sflag:s9] =	ssyncset.done $0x0  }
0x178: {  	[sflag:s9] =	ssyncadd.s32 $0xFFFFD800  }
0x179: {  	_ =	sfence.sel $0x180000  }
0x17a: {  	[bflag:$0x0] =	sbarrier.arrive $0xFFFF  }
0x17b: {  	_ =	strace $0x90000047  }
0x17c: {  	s0 =	stileid.u32;
	[bflag:$0x2] =	sbarrier.arrive $0xFFFF  }
0x17d: {  	p0 =	sne.s32 s0, $0x0;
	s0 =	rddreg [dreg:$0x4]  }
0x17e: {  	s0 =	sadd.s32 @!p0 $0x100000, s0  }
0x17f: {  	[sflag:s0] =	ssyncadd.tile.s32 @!p0 $0x1;
	_ =	shalt  }
.Lfunc_end2:
_tile_overlayer_lowered:
.L_overlay_start_2:
0x180: {  	(tag) =	ssettag $0x2  }
0x181: {  	s0 =	rddreg [dreg:$0x0];
	s2 =	stileid.u32  }
0x182: {  	s1 =	rddreg [dreg:$0x1];
	p0 =	sne.s32 s2, $0x0  }
0x183: {  	s3 =	rddreg [dreg:$0x2];
	[bflag:$0x3] =	sbarrier.arrive $0xFFFF;
	s2 =	simm.s32 @!p0 $0x1C07  }
0x184: {  	[timem:s3], [sflag:s2] =	dma.local @!p0 [hbm:s0], s1  }
0x185: {  	s0 =	simm.s32 @!p0 $0x7  }
0x186: {  	_ =	swait.ge @!p0 [sflag:s0], s1  }
0x187: {  	s1 =	ssub.s32 @!p0 $0x0, s1;
	[sflag:s0] =	ssyncset.done @!p0 $0x0  }
0x188: {  	[sflag:s0] =	ssyncadd.s32 @!p0 s1  }
0x189: {  	[bflag:$0x3] =	sbarrier.arrive $0xFFFF  }
0x18a: {  	_ =	shalt  }

</sc_bundles>
